<compile_context>
chip_gen: v7x
topology: tpu7x:2x2x1
jax: 0.10.2.dev20260603
libtpu: 0.0.44.dev20260713+nightly
codegen_flags: <defaults>
</compile_context>

<pallas_src>
import jax
import jax.numpy as jnp
from jax import lax
from jax.experimental import pallas as pl
from jax.experimental.pallas import tpu as pltpu
from jax.experimental.pallas import tpu_sc as plsc

_B = 4096
_L = 200
_D = 128
_ROWS = _B * _L
_NC = 2
_NS = 16
_NW = _NC * _NS
_SPW = _B // _NW
_RPW = _SPW * _L
_NPAIR = _SPW // 2
_TPAIR = _B // 2
_IW = 100
_NKS = _D // 16


def _sc_body(seq_hbm, item_hbm, pos_hbm, out_hbm,
             idx, rows, pos_v, isems, gsems, ssems):
    c = lax.axis_index("c")
    s = lax.axis_index("s")
    wid = s * _NC + c
    pbase0 = wid * _NPAIR
    ibase = pbase0 * 4

    pltpu.sync_copy(pos_hbm, pos_v)

    def start_idx(pp, g):
        cc = jnp.minimum(pp, _NPAIR - 1)
        pltpu.async_copy(seq_hbm.at[pl.ds(ibase + cc * 4, 4)],
                         idx.at[g], isems.at[g])

    def wait_idx(g):
        pltpu.make_async_copy(seq_hbm.at[pl.ds(ibase, 4)], idx.at[g],
                              isems.at[g]).wait()

    def start_gathers(g):
        for r in range(4):
            pltpu.async_copy(item_hbm.at[idx.at[g, r]],
                             rows.at[g, r // 2, pl.ds((r % 2) * _IW, _IW)],
                             gsems.at[g])

    def wait_gathers(g):
        for r in range(4):
            pltpu.make_async_copy(item_hbm.at[idx.at[g, r]],
                                  rows.at[g, r // 2, pl.ds((r % 2) * _IW, _IW)],
                                  gsems.at[g]).wait()

    def start_scatter(pp, g):
        pltpu.async_copy(rows.at[g], out_hbm.at[pbase0 + pp], ssems.at[g])

    def wait_scatter(g):
        pltpu.make_async_copy(rows.at[g], out_hbm.at[pbase0], ssems.at[g]).wait()

    def add_pos_pair(g):
        def body_l(l, carry):
            pb = l * _D
            pv = [pos_v[pl.ds(pb + k * 16, 16)] for k in range(_NKS)]
            for q in range(2):
                for k in range(_NKS):
                    plsc.addupdate(rows.at[g, q, l, pl.ds(k * 16, 16)], pv[k])
            return carry
        lax.fori_loop(0, _L, body_l, 0, unroll=2)

    start_idx(0, 0)
    start_idx(1, 1)
    wait_idx(0)
    start_gathers(0)

    def pair_body(p, carry):
        for g in range(2):
            pp = 2 * p + g
            og = 1 - g

            @pl.when(pp >= 1)
            def _():
                wait_scatter(og)

            @pl.when(pp < _NPAIR - 1)
            def _():
                wait_idx(og)
                start_gathers(og)

            wait_gathers(g)
            start_idx(pp + 2, g)
            add_pos_pair(g)
            start_scatter(pp, g)
        return carry

    lax.fori_loop(0, _NPAIR // 2, pair_body, 0)

    wait_scatter(1)
    wait_idx(0)
    wait_idx(1)


@jax.jit
def _sc_embed(seq_view, item_table, pos_flat):
    mesh = plsc.VectorSubcoreMesh(
        core_axis_name="c", subcore_axis_name="s",
        num_cores=_NC, num_subcores=_NS)
    return pl.kernel(
        _sc_body,
        out_type=jax.ShapeDtypeStruct((_TPAIR, 2, _L, _D), jnp.float32),
        mesh=mesh,
        scratch_types=[
            pltpu.VMEM((2, 4, _IW), jnp.int32),
            pltpu.VMEM((2, 2, _L, _D), jnp.float32),
            pltpu.VMEM((_L * _D,), jnp.float32),
            pltpu.SemaphoreType.DMA((2,)),
            pltpu.SemaphoreType.DMA((2,)),
            pltpu.SemaphoreType.DMA((2,)),
        ],
    )(seq_view, item_table, pos_flat)


def kernel(sequence, item_table, pos_table):
    seq_view = sequence.reshape(_ROWS // _IW, _IW).astype(jnp.int32)
    out = _sc_embed(seq_view, item_table, pos_table.reshape(-1))
    return out.reshape(_B, _L, _D)

# --- scband reference (transcript-rebuilt; emitter-appended) ---
"""Pipeline reference for scband-bert-embedding-85074712199590 (READ-ONLY COPY).

The authoritative reference and input builder live on the scoring server;
editing this copy changes nothing except your own understanding.
"""

import jax, jax.numpy as jnp
import numpy as np

ITEMS_SIZE = 100000
EMBED_SIZE = 128
MAX_LEN = 200
BATCH = 4096
SEQ_LEN = 200

def setup_inputs(seed: int = 0) -> dict:
    key = jax.random.key(seed)
    k1, k2, k3 = jax.random.split(key, 3)
    sequence = jax.random.randint(k1, (BATCH, SEQ_LEN), 0, ITEMS_SIZE, dtype=jnp.int64 if jax.config.jax_enable_x64 else jnp.int32)
    item_table = jax.random.normal(k2, (ITEMS_SIZE, EMBED_SIZE), dtype=jnp.float32)
    # padding_idx=0: row 0 is zeros
    item_table = item_table.at[0].set(0.0)
    pos_table = jax.random.normal(k3, (MAX_LEN, EMBED_SIZE), dtype=jnp.float32)
    return {"sequence": sequence, "item_table": item_table, "pos_table": pos_table}

def reference(sequence, item_table, pos_table):
    # ItemEmbedding lookup (padding_idx=0 handled via zeroed row in table)
    item_emb = jnp.take(item_table, sequence, axis=0)  # [B, L, D]
    # PositionalEmbedding: arange(seq_len) broadcast over batch
    B, L = sequence.shape
    pos_ids = jnp.broadcast_to(jnp.arange(L)[None, :], (B, L))
    pos_emb = jnp.take(pos_table, pos_ids, axis=0)  # [B, L, D]
    # dropout is identity in eval/inference mode
    return item_emb + pos_emb

if __name__ == "__main__":
    import jax
    _d = setup_inputs()
    print(jax.jit(kernel)(*tuple(_d.values())))

</pallas_src>

<mosaic_0001>
#map = affine_map<(d0, d1) -> (0, 0)>
#map1 = affine_map<(d0, d1) -> (0)>
#map2 = affine_map<(d0, d1) -> (0, 0, 0, 0)>
module attributes {stable_mosaic.version = 14 : i64} {
  func.func @_sc_body(%arg0: i32, %arg1: i32, %arg2: memref<8192x100xi32, #tpu.memory_space<hbm>>, %arg3: memref<100000x128xf32, #tpu.memory_space<hbm>>, %arg4: memref<25600xf32, #tpu.memory_space<hbm>>, %arg5: memref<2048x2x200x128xf32, #tpu.memory_space<hbm>>, %arg6: memref<2x4x100xi32, #tpu.memory_space<vmem>>, %arg7: memref<2x2x200x128xf32, #tpu.memory_space<vmem>>, %arg8: memref<25600xf32, #tpu.memory_space<vmem>>, %arg9: memref<2x!tpu.dma_semaphore, #tpu.memory_space<semaphore_mem>>, %arg10: memref<2x!tpu.dma_semaphore, #tpu.memory_space<semaphore_mem>>, %arg11: memref<2x!tpu.dma_semaphore, #tpu.memory_space<semaphore_mem>>) attributes {dimension_semantics = [#tpu.dimension_semantics<core_parallel>, #tpu.dimension_semantics<subcore_parallel>], iteration_bounds = array<i64: 2, 16>, scalar_prefetch = 0 : i64, scratch_operands = 6 : i64, tpu.core_type = #tpu.core_type<sc_vector_subcore>, window_params = [{transform_indices = #map}, {transform_indices = #map}, {transform_indices = #map1}, {transform_indices = #map2}]} {
    %mul3A = arith.constant 2 : i32
    %mul3A_0 = arith.muli %arg1, %mul3A : i32
    %add3A = arith.addi %mul3A_0, %arg0 : i32
    %mul3A_1 = arith.constant 64 : i32
    %mul3A_2 = arith.muli %add3A, %mul3A_1 : i32
    %mul3A_3 = arith.constant 4 : i32
    %mul3A_4 = arith.muli %mul3A_2, %mul3A_3 : i32
    "tpu.region"() ({
      %run_scoped3A = tpu.sem_alloc : memref<!tpu.dma_semaphore, #tpu.memory_space<semaphore_mem>>
      tpu.enqueue_dma source(%arg4 : memref<25600xf32, #tpu.memory_space<hbm>>) target(%arg8 : memref<25600xf32, #tpu.memory_space<vmem>>) target_semaphore(%run_scoped3A : memref<!tpu.dma_semaphore, #tpu.memory_space<semaphore_mem>>)
      tpu.wait_dma2 semaphore(%run_scoped3A : memref<!tpu.dma_semaphore, #tpu.memory_space<semaphore_mem>>) src(%arg4 : memref<25600xf32, #tpu.memory_space<hbm>>) dst(%arg8 : memref<25600xf32, #tpu.memory_space<vmem>>)
      tpu.yield
    }) : () -> ()
    %min3A = arith.constant 0 : i32
    %min3A_5 = arith.constant 63 : i32
    %min3A_6 = arith.minsi %min3A, %min3A_5 : i32
    %mul3A_7 = arith.constant 4 : i32
    %mul3A_8 = arith.muli %min3A_6, %mul3A_7 : i32
    %add3A_9 = arith.addi %mul3A_4, %mul3A_8 : i32
    %dma_start3A = arith.constant 0 : i32
    %dma_start3A_10 = arith.constant 0 : i32
    %dma_start3A_11 = arith.constant 0 : i32
    %dma_start3A_12 = arith.constant 0 : i32
    %dma_start3A_13 = tpu.memref_slice %arg6[%dma_start3A, %dma_start3A_11, %dma_start3A_12] : memref<2x4x100xi32, #tpu.memory_space<vmem>> -> memref<1x4x100xi32, #tpu.memory_space<vmem>>
    %dma_start3A_14 = tpu.memref_squeeze %dma_start3A_13 : memref<1x4x100xi32, #tpu.memory_space<vmem>> -> memref<4x100xi32, #tpu.memory_space<vmem>>
    %dma_start3A_15 = arith.constant 0 : i32
    %dma_start3A_16 = tpu.memref_slice %arg2[%add3A_9, %dma_start3A_15] : memref<8192x100xi32, #tpu.memory_space<hbm>> -> memref<4x100xi32, #tpu.memory_space<hbm>>
    %dma_start3A_17 = tpu.memref_slice %arg9[%dma_start3A_10] : memref<2x!tpu.dma_semaphore, #tpu.memory_space<semaphore_mem>> -> memref<1x!tpu.dma_semaphore, #tpu.memory_space<semaphore_mem>>
    %dma_start3A_18 = tpu.memref_squeeze %dma_start3A_17 : memref<1x!tpu.dma_semaphore, #tpu.memory_space<semaphore_mem>> -> memref<!tpu.dma_semaphore, #tpu.memory_space<semaphore_mem>>
    %dma_start3A_19 = arith.constant 0 : i32
    %dma_start3A_20 = arith.constant 0 : i32
    %dma_start3A_21 = tpu.memref_slice %arg6[%dma_start3A, %dma_start3A_19, %dma_start3A_20] : memref<2x4x100xi32, #tpu.memory_space<vmem>> -> memref<1x4x100xi32, #tpu.memory_space<vmem>>
    %dma_start3A_22 = tpu.memref_squeeze %dma_start3A_21 : memref<1x4x100xi32, #tpu.memory_space<vmem>> -> memref<4x100xi32, #tpu.memory_space<vmem>>
    %dma_start3A_23 = arith.constant 0 : i32
    %dma_start3A_24 = tpu.memref_slice %arg2[%add3A_9, %dma_start3A_23] : memref<8192x100xi32, #tpu.memory_space<hbm>> -> memref<4x100xi32, #tpu.memory_space<hbm>>
    tpu.enqueue_dma source(%dma_start3A_24 : memref<4x100xi32, #tpu.memory_space<hbm>>) target(%dma_start3A_22 : memref<4x100xi32, #tpu.memory_space<vmem>>) target_semaphore(%dma_start3A_18 : memref<!tpu.dma_semaphore, #tpu.memory_space<semaphore_mem>>)
    %min3A_25 = arith.constant 1 : i32
    %min3A_26 = arith.constant 63 : i32
    %min3A_27 = arith.minsi %min3A_25, %min3A_26 : i32
    %mul3A_28 = arith.constant 4 : i32
    %mul3A_29 = arith.muli %min3A_27, %mul3A_28 : i32
    %add3A_30 = arith.addi %mul3A_4, %mul3A_29 : i32
    %dma_start3A_31 = arith.constant 1 : i32
    %dma_start3A_32 = arith.constant 1 : i32
    %dma_start3A_33 = arith.constant 0 : i32
    %dma_start3A_34 = arith.constant 0 : i32
    %dma_start3A_35 = tpu.memref_slice %arg6[%dma_start3A_31, %dma_start3A_33, %dma_start3A_34] : memref<2x4x100xi32, #tpu.memory_space<vmem>> -> memref<1x4x100xi32, #tpu.memory_space<vmem>>
    %dma_start3A_36 = tpu.memref_squeeze %dma_start3A_35 : memref<1x4x100xi32, #tpu.memory_space<vmem>> -> memref<4x100xi32, #tpu.memory_space<vmem>>
    %dma_start3A_37 = arith.constant 0 : i32
    %dma_start3A_38 = tpu.memref_slice %arg2[%add3A_30, %dma_start3A_37] : memref<8192x100xi32, #tpu.memory_space<hbm>> -> memref<4x100xi32, #tpu.memory_space<hbm>>
    %dma_start3A_39 = tpu.memref_slice %arg9[%dma_start3A_32] : memref<2x!tpu.dma_semaphore, #tpu.memory_space<semaphore_mem>> -> memref<1x!tpu.dma_semaphore, #tpu.memory_space<semaphore_mem>>
    %dma_start3A_40 = tpu.memref_squeeze %dma_start3A_39 : memref<1x!tpu.dma_semaphore, #tpu.memory_space<semaphore_mem>> -> memref<!tpu.dma_semaphore, #tpu.memory_space<semaphore_mem>>
    %dma_start3A_41 = arith.constant 0 : i32
    %dma_start3A_42 = arith.constant 0 : i32
    %dma_start3A_43 = tpu.memref_slice %arg6[%dma_start3A_31, %dma_start3A_41, %dma_start3A_42] : memref<2x4x100xi32, #tpu.memory_space<vmem>> -> memref<1x4x100xi32, #tpu.memory_space<vmem>>
    %dma_start3A_44 = tpu.memref_squeeze %dma_start3A_43 : memref<1x4x100xi32, #tpu.memory_space<vmem>> -> memref<4x100xi32, #tpu.memory_space<vmem>>
    %dma_start3A_45 = arith.constant 0 : i32
    %dma_start3A_46 = tpu.memref_slice %arg2[%add3A_30, %dma_start3A_45] : memref<8192x100xi32, #tpu.memory_space<hbm>> -> memref<4x100xi32, #tpu.memory_space<hbm>>
    tpu.enqueue_dma source(%dma_start3A_46 : memref<4x100xi32, #tpu.memory_space<hbm>>) target(%dma_start3A_44 : memref<4x100xi32, #tpu.memory_space<vmem>>) target_semaphore(%dma_start3A_40 : memref<!tpu.dma_semaphore, #tpu.memory_space<semaphore_mem>>)
    %dma_wait3A = arith.constant 0 : i32
    %dma_wait3A_47 = arith.constant 0 : i32
    %dma_wait3A_48 = arith.constant 0 : i32
    %dma_wait3A_49 = arith.constant 0 : i32
    %dma_wait3A_50 = tpu.memref_slice %arg6[%dma_wait3A, %dma_wait3A_48, %dma_wait3A_49] : memref<2x4x100xi32, #tpu.memory_space<vmem>> -> memref<1x4x100xi32, #tpu.memory_space<vmem>>
    %dma_wait3A_51 = tpu.memref_squeeze %dma_wait3A_50 : memref<1x4x100xi32, #tpu.memory_space<vmem>> -> memref<4x100xi32, #tpu.memory_space<vmem>>
    %dma_wait3A_52 = arith.constant 0 : i32
    %dma_wait3A_53 = tpu.memref_slice %arg2[%mul3A_4, %dma_wait3A_52] : memref<8192x100xi32, #tpu.memory_space<hbm>> -> memref<4x100xi32, #tpu.memory_space<hbm>>
    %dma_wait3A_54 = tpu.memref_slice %arg9[%dma_wait3A_47] : memref<2x!tpu.dma_semaphore, #tpu.memory_space<semaphore_mem>> -> memref<1x!tpu.dma_semaphore, #tpu.memory_space<semaphore_mem>>
    %dma_wait3A_55 = tpu.memref_squeeze %dma_wait3A_54 : memref<1x!tpu.dma_semaphore, #tpu.memory_space<semaphore_mem>> -> memref<!tpu.dma_semaphore, #tpu.memory_space<semaphore_mem>>
    %dma_wait3A_56 = arith.constant 0 : i32
    %dma_wait3A_57 = arith.constant 0 : i32
    %dma_wait3A_58 = tpu.memref_slice %arg6[%dma_wait3A, %dma_wait3A_56, %dma_wait3A_57] : memref<2x4x100xi32, #tpu.memory_space<vmem>> -> memref<1x4x100xi32, #tpu.memory_space<vmem>>
    %dma_wait3A_59 = tpu.memref_squeeze %dma_wait3A_58 : memref<1x4x100xi32, #tpu.memory_space<vmem>> -> memref<4x100xi32, #tpu.memory_space<vmem>>
    %dma_wait3A_60 = arith.constant 0 : i32
    %dma_wait3A_61 = tpu.memref_slice %arg2[%mul3A_4, %dma_wait3A_60] : memref<8192x100xi32, #tpu.memory_space<hbm>> -> memref<4x100xi32, #tpu.memory_space<hbm>>
    tpu.wait_dma2 semaphore(%dma_wait3A_55 : memref<!tpu.dma_semaphore, #tpu.memory_space<semaphore_mem>>) src(%dma_wait3A_61 : memref<4x100xi32, #tpu.memory_space<hbm>>) dst(%dma_wait3A_59 : memref<4x100xi32, #tpu.memory_space<vmem>>)
    %dma_start3A_62 = arith.constant 0 : i32
    %dma_start3A_63 = arith.constant 0 : i32
    %dma_start3A_64 = arith.constant 0 : i32
    %dma_start3A_65 = arith.constant 0 : i32
    %dma_start3A_66 = arith.constant 0 : i32
    %dma_start3A_67 = arith.constant 0 : i32
    %dma_start3A_68 = arith.constant 0 : i32
    %dma_start3A_69 = tpu.memref_slice %arg7[%dma_start3A_64, %dma_start3A_65, %dma_start3A_67, %dma_start3A_68] : memref<2x2x200x128xf32, #tpu.memory_space<vmem>> -> memref<1x1x100x128xf32, #tpu.memory_space<vmem>>
    %dma_start3A_70 = tpu.memref_squeeze %dma_start3A_69 : memref<1x1x100x128xf32, #tpu.memory_space<vmem>> -> memref<100x128xf32, #tpu.memory_space<vmem>>
    %dma_start3A_71 = arith.constant 0 : i32
    %dma_start3A_72 = tpu.memref_slice %arg6[%dma_start3A_62, %dma_start3A_63, %dma_start3A_71] : memref<2x4x100xi32, #tpu.memory_space<vmem>> -> memref<1x1x100xi32, #tpu.memory_space<vmem>>
    %dma_start3A_73 = tpu.memref_squeeze %dma_start3A_72 : memref<1x1x100xi32, #tpu.memory_space<vmem>> -> memref<100xi32, #tpu.memory_space<vmem>>
    %dma_start3A_74 = arith.constant 0 : i32
    %dma_start3A_75 = arith.constant 0 : i32
    %dma_start3A_76 = tpu.memref_slice %arg3[%dma_start3A_74, %dma_start3A_75] : memref<100000x128xf32, #tpu.memory_space<hbm>> -> memref<100000x128xf32, #tpu.memory_space<hbm>>
    %dma_start3A_77 = tpu.memref_slice %arg10[%dma_start3A_66] : memref<2x!tpu.dma_semaphore, #tpu.memory_space<semaphore_mem>> -> memref<1x!tpu.dma_semaphore, #tpu.memory_space<semaphore_mem>>
    %dma_start3A_78 = tpu.memref_squeeze %dma_start3A_77 : memref<1x!tpu.dma_semaphore, #tpu.memory_space<semaphore_mem>> -> memref<!tpu.dma_semaphore, #tpu.memory_space<semaphore_mem>>
    tpu.enqueue_indirect_dma source(%dma_start3A_76 : memref<100000x128xf32, #tpu.memory_space<hbm>>) target(%dma_start3A_70 : memref<100x128xf32, #tpu.memory_space<vmem>>) offsets(%dma_start3A_73 : memref<100xi32, #tpu.memory_space<vmem>>) semaphore(%dma_start3A_78 : memref<!tpu.dma_semaphore, #tpu.memory_space<semaphore_mem>>)
    %dma_start3A_79 = arith.constant 0 : i32
    %dma_start3A_80 = arith.constant 1 : i32
    %dma_start3A_81 = arith.constant 0 : i32
    %dma_start3A_82 = arith.constant 0 : i32
    %dma_start3A_83 = arith.constant 0 : i32
    %dma_start3A_84 = arith.constant 100 : i32
    %dma_start3A_85 = arith.constant 0 : i32
    %dma_start3A_86 = tpu.memref_slice %arg7[%dma_start3A_81, %dma_start3A_82, %dma_start3A_84, %dma_start3A_85] : memref<2x2x200x128xf32, #tpu.memory_space<vmem>> -> memref<1x1x100x128xf32, #tpu.memory_space<vmem>>
    %dma_start3A_87 = tpu.memref_squeeze %dma_start3A_86 : memref<1x1x100x128xf32, #tpu.memory_space<vmem>> -> memref<100x128xf32, #tpu.memory_space<vmem>>
    %dma_start3A_88 = arith.constant 0 : i32
    %dma_start3A_89 = tpu.memref_slice %arg6[%dma_start3A_79, %dma_start3A_80, %dma_start3A_88] : memref<2x4x100xi32, #tpu.memory_space<vmem>> -> memref<1x1x100xi32, #tpu.memory_space<vmem>>
    %dma_start3A_90 = tpu.memref_squeeze %dma_start3A_89 : memref<1x1x100xi32, #tpu.memory_space<vmem>> -> memref<100xi32, #tpu.memory_space<vmem>>
    %dma_start3A_91 = arith.constant 0 : i32
    %dma_start3A_92 = arith.constant 0 : i32
    %dma_start3A_93 = tpu.memref_slice %arg3[%dma_start3A_91, %dma_start3A_92] : memref<100000x128xf32, #tpu.memory_space<hbm>> -> memref<100000x128xf32, #tpu.memory_space<hbm>>
    %dma_start3A_94 = tpu.memref_slice %arg10[%dma_start3A_83] : memref<2x!tpu.dma_semaphore, #tpu.memory_space<semaphore_mem>> -> memref<1x!tpu.dma_semaphore, #tpu.memory_space<semaphore_mem>>
    %dma_start3A_95 = tpu.memref_squeeze %dma_start3A_94 : memref<1x!tpu.dma_semaphore, #tpu.memory_space<semaphore_mem>> -> memref<!tpu.dma_semaphore, #tpu.memory_space<semaphore_mem>>
    tpu.enqueue_indirect_dma source(%dma_start3A_93 : memref<100000x128xf32, #tpu.memory_space<hbm>>) target(%dma_start3A_87 : memref<100x128xf32, #tpu.memory_space<vmem>>) offsets(%dma_start3A_90 : memref<100xi32, #tpu.memory_space<vmem>>) semaphore(%dma_start3A_95 : memref<!tpu.dma_semaphore, #tpu.memory_space<semaphore_mem>>)
    %dma_start3A_96 = arith.constant 0 : i32
    %dma_start3A_97 = arith.constant 2 : i32
    %dma_start3A_98 = arith.constant 0 : i32
    %dma_start3A_99 = arith.constant 1 : i32
    %dma_start3A_100 = arith.constant 0 : i32
    %dma_start3A_101 = arith.constant 0 : i32
    %dma_start3A_102 = arith.constant 0 : i32
    %dma_start3A_103 = tpu.memref_slice %arg7[%dma_start3A_98, %dma_start3A_99, %dma_start3A_101, %dma_start3A_102] : memref<2x2x200x128xf32, #tpu.memory_space<vmem>> -> memref<1x1x100x128xf32, #tpu.memory_space<vmem>>
    %dma_start3A_104 = tpu.memref_squeeze %dma_start3A_103 : memref<1x1x100x128xf32, #tpu.memory_space<vmem>> -> memref<100x128xf32, #tpu.memory_space<vmem>>
    %dma_start3A_105 = arith.constant 0 : i32
    %dma_start3A_106 = tpu.memref_slice %arg6[%dma_start3A_96, %dma_start3A_97, %dma_start3A_105] : memref<2x4x100xi32, #tpu.memory_space<vmem>> -> memref<1x1x100xi32, #tpu.memory_space<vmem>>
    %dma_start3A_107 = tpu.memref_squeeze %dma_start3A_106 : memref<1x1x100xi32, #tpu.memory_space<vmem>> -> memref<100xi32, #tpu.memory_space<vmem>>
    %dma_start3A_108 = arith.constant 0 : i32
    %dma_start3A_109 = arith.constant 0 : i32
    %dma_start3A_110 = tpu.memref_slice %arg3[%dma_start3A_108, %dma_start3A_109] : memref<100000x128xf32, #tpu.memory_space<hbm>> -> memref<100000x128xf32, #tpu.memory_space<hbm>>
    %dma_start3A_111 = tpu.memref_slice %arg10[%dma_start3A_100] : memref<2x!tpu.dma_semaphore, #tpu.memory_space<semaphore_mem>> -> memref<1x!tpu.dma_semaphore, #tpu.memory_space<semaphore_mem>>
    %dma_start3A_112 = tpu.memref_squeeze %dma_start3A_111 : memref<1x!tpu.dma_semaphore, #tpu.memory_space<semaphore_mem>> -> memref<!tpu.dma_semaphore, #tpu.memory_space<semaphore_mem>>
    tpu.enqueue_indirect_dma source(%dma_start3A_110 : memref<100000x128xf32, #tpu.memory_space<hbm>>) target(%dma_start3A_104 : memref<100x128xf32, #tpu.memory_space<vmem>>) offsets(%dma_start3A_107 : memref<100xi32, #tpu.memory_space<vmem>>) semaphore(%dma_start3A_112 : memref<!tpu.dma_semaphore, #tpu.memory_space<semaphore_mem>>)
    %dma_start3A_113 = arith.constant 0 : i32
    %dma_start3A_114 = arith.constant 3 : i32
    %dma_start3A_115 = arith.constant 0 : i32
    %dma_start3A_116 = arith.constant 1 : i32
    %dma_start3A_117 = arith.constant 0 : i32
    %dma_start3A_118 = arith.constant 100 : i32
    %dma_start3A_119 = arith.constant 0 : i32
    %dma_start3A_120 = tpu.memref_slice %arg7[%dma_start3A_115, %dma_start3A_116, %dma_start3A_118, %dma_start3A_119] : memref<2x2x200x128xf32, #tpu.memory_space<vmem>> -> memref<1x1x100x128xf32, #tpu.memory_space<vmem>>
    %dma_start3A_121 = tpu.memref_squeeze %dma_start3A_120 : memref<1x1x100x128xf32, #tpu.memory_space<vmem>> -> memref<100x128xf32, #tpu.memory_space<vmem>>
    %dma_start3A_122 = arith.constant 0 : i32
    %dma_start3A_123 = tpu.memref_slice %arg6[%dma_start3A_113, %dma_start3A_114, %dma_start3A_122] : memref<2x4x100xi32, #tpu.memory_space<vmem>> -> memref<1x1x100xi32, #tpu.memory_space<vmem>>
    %dma_start3A_124 = tpu.memref_squeeze %dma_start3A_123 : memref<1x1x100xi32, #tpu.memory_space<vmem>> -> memref<100xi32, #tpu.memory_space<vmem>>
    %dma_start3A_125 = arith.constant 0 : i32
    %dma_start3A_126 = arith.constant 0 : i32
    %dma_start3A_127 = tpu.memref_slice %arg3[%dma_start3A_125, %dma_start3A_126] : memref<100000x128xf32, #tpu.memory_space<hbm>> -> memref<100000x128xf32, #tpu.memory_space<hbm>>
    %dma_start3A_128 = tpu.memref_slice %arg10[%dma_start3A_117] : memref<2x!tpu.dma_semaphore, #tpu.memory_space<semaphore_mem>> -> memref<1x!tpu.dma_semaphore, #tpu.memory_space<semaphore_mem>>
    %dma_start3A_129 = tpu.memref_squeeze %dma_start3A_128 : memref<1x!tpu.dma_semaphore, #tpu.memory_space<semaphore_mem>> -> memref<!tpu.dma_semaphore, #tpu.memory_space<semaphore_mem>>
    tpu.enqueue_indirect_dma source(%dma_start3A_127 : memref<100000x128xf32, #tpu.memory_space<hbm>>) target(%dma_start3A_121 : memref<100x128xf32, #tpu.memory_space<vmem>>) offsets(%dma_start3A_124 : memref<100xi32, #tpu.memory_space<vmem>>) semaphore(%dma_start3A_129 : memref<!tpu.dma_semaphore, #tpu.memory_space<semaphore_mem>>)
    %scan3A = arith.constant 0 : i32
    %scan3A_130 = arith.constant 0 : i32
    %scan3A_131 = arith.constant 32 : i32
    %scan3A_132 = arith.addi %scan3A_130, %scan3A_131 : i32
    %scan3A_133 = arith.constant 1 : i32
    scf.for %scan3A_191 = %scan3A_130 to %scan3A_132 step %scan3A_133  : i32 {
      %mul3A_192 = arith.constant 2 : i32
      %mul3A_193 = arith.muli %mul3A_192, %scan3A_191 : i32
      %add3A_194 = arith.constant 0 : i32
      %add3A_195 = arith.addi %mul3A_193, %add3A_194 : i32
      %ge3A = arith.constant 1 : i32
      %ge3A_196 = arith.cmpi sge, %add3A_195, %ge3A : i32
      %convert_element_type3A = arith.extui %ge3A_196 : i1 to i32
      %cond3A = arith.constant 0 : i32
      %cond3A_197 = arith.cmpi ne, %convert_element_type3A, %cond3A : i32
      scf.if %cond3A_197 {
        %dma_wait3A_460 = arith.constant 1 : i32
        %dma_wait3A_461 = arith.constant 1 : i32
        %dma_wait3A_462 = arith.constant 0 : i32
        %dma_wait3A_463 = arith.constant 0 : i32
        %dma_wait3A_464 = arith.constant 0 : i32
        %dma_wait3A_465 = tpu.memref_slice %arg7[%dma_wait3A_460, %dma_wait3A_462, %dma_wait3A_463, %dma_wait3A_464] : memref<2x2x200x128xf32, #tpu.memory_space<vmem>> -> memref<1x2x200x128xf32, #tpu.memory_space<vmem>>
        %dma_wait3A_466 = tpu.memref_squeeze %dma_wait3A_465 : memref<1x2x200x128xf32, #tpu.memory_space<vmem>> -> memref<2x200x128xf32, #tpu.memory_space<vmem>>
        %dma_wait3A_467 = arith.constant 0 : i32
        %dma_wait3A_468 = arith.constant 0 : i32
        %dma_wait3A_469 = arith.constant 0 : i32
        %dma_wait3A_470 = tpu.memref_slice %arg5[%mul3A_2, %dma_wait3A_467, %dma_wait3A_468, %dma_wait3A_469] : memref<2048x2x200x128xf32, #tpu.memory_space<hbm>> -> memref<1x2x200x128xf32, #tpu.memory_space<hbm>>
        %dma_wait3A_471 = tpu.memref_squeeze %dma_wait3A_470 : memref<1x2x200x128xf32, #tpu.memory_space<hbm>> -> memref<2x200x128xf32, #tpu.memory_space<hbm>>
        %dma_wait3A_472 = tpu.memref_slice %arg11[%dma_wait3A_461] : memref<2x!tpu.dma_semaphore, #tpu.memory_space<semaphore_mem>> -> memref<1x!tpu.dma_semaphore, #tpu.memory_space<semaphore_mem>>
        %dma_wait3A_473 = tpu.memref_squeeze %dma_wait3A_472 : memref<1x!tpu.dma_semaphore, #tpu.memory_space<semaphore_mem>> -> memref<!tpu.dma_semaphore, #tpu.memory_space<semaphore_mem>>
        %dma_wait3A_474 = arith.constant 0 : i32
        %dma_wait3A_475 = arith.constant 0 : i32
        %dma_wait3A_476 = arith.constant 0 : i32
        %dma_wait3A_477 = tpu.memref_slice %arg5[%mul3A_2, %dma_wait3A_474, %dma_wait3A_475, %dma_wait3A_476] : memref<2048x2x200x128xf32, #tpu.memory_space<hbm>> -> memref<1x2x200x128xf32, #tpu.memory_space<hbm>>
        %dma_wait3A_478 = tpu.memref_squeeze %dma_wait3A_477 : memref<1x2x200x128xf32, #tpu.memory_space<hbm>> -> memref<2x200x128xf32, #tpu.memory_space<hbm>>
        %dma_wait3A_479 = arith.constant 0 : i32
        %dma_wait3A_480 = arith.constant 0 : i32
        %dma_wait3A_481 = arith.constant 0 : i32
        %dma_wait3A_482 = tpu.memref_slice %arg7[%dma_wait3A_460, %dma_wait3A_479, %dma_wait3A_480, %dma_wait3A_481] : memref<2x2x200x128xf32, #tpu.memory_space<vmem>> -> memref<1x2x200x128xf32, #tpu.memory_space<vmem>>
        %dma_wait3A_483 = tpu.memref_squeeze %dma_wait3A_482 : memref<1x2x200x128xf32, #tpu.memory_space<vmem>> -> memref<2x200x128xf32, #tpu.memory_space<vmem>>
        tpu.wait_dma2 semaphore(%dma_wait3A_473 : memref<!tpu.dma_semaphore, #tpu.memory_space<semaphore_mem>>) src(%dma_wait3A_483 : memref<2x200x128xf32, #tpu.memory_space<vmem>>) dst(%dma_wait3A_478 : memref<2x200x128xf32, #tpu.memory_space<hbm>>)
      } else {
      }
      %lt3A = arith.constant 63 : i32
      %lt3A_198 = arith.cmpi slt, %add3A_195, %lt3A : i32
      %convert_element_type3A_199 = arith.extui %lt3A_198 : i1 to i32
      %cond3A_200 = arith.constant 0 : i32
      %cond3A_201 = arith.cmpi ne, %convert_element_type3A_199, %cond3A_200 : i32
      scf.if %cond3A_201 {
        %dma_wait3A_460 = arith.constant 1 : i32
        %dma_wait3A_461 = arith.constant 1 : i32
        %dma_wait3A_462 = arith.constant 0 : i32
        %dma_wait3A_463 = arith.constant 0 : i32
        %dma_wait3A_464 = tpu.memref_slice %arg6[%dma_wait3A_460, %dma_wait3A_462, %dma_wait3A_463] : memref<2x4x100xi32, #tpu.memory_space<vmem>> -> memref<1x4x100xi32, #tpu.memory_space<vmem>>
        %dma_wait3A_465 = tpu.memref_squeeze %dma_wait3A_464 : memref<1x4x100xi32, #tpu.memory_space<vmem>> -> memref<4x100xi32, #tpu.memory_space<vmem>>
        %dma_wait3A_466 = arith.constant 0 : i32
        %dma_wait3A_467 = tpu.memref_slice %arg2[%mul3A_4, %dma_wait3A_466] : memref<8192x100xi32, #tpu.memory_space<hbm>> -> memref<4x100xi32, #tpu.memory_space<hbm>>
        %dma_wait3A_468 = tpu.memref_slice %arg9[%dma_wait3A_461] : memref<2x!tpu.dma_semaphore, #tpu.memory_space<semaphore_mem>> -> memref<1x!tpu.dma_semaphore, #tpu.memory_space<semaphore_mem>>
        %dma_wait3A_469 = tpu.memref_squeeze %dma_wait3A_468 : memref<1x!tpu.dma_semaphore, #tpu.memory_space<semaphore_mem>> -> memref<!tpu.dma_semaphore, #tpu.memory_space<semaphore_mem>>
        %dma_wait3A_470 = arith.constant 0 : i32
        %dma_wait3A_471 = arith.constant 0 : i32
        %dma_wait3A_472 = tpu.memref_slice %arg6[%dma_wait3A_460, %dma_wait3A_470, %dma_wait3A_471] : memref<2x4x100xi32, #tpu.memory_space<vmem>> -> memref<1x4x100xi32, #tpu.memory_space<vmem>>
        %dma_wait3A_473 = tpu.memref_squeeze %dma_wait3A_472 : memref<1x4x100xi32, #tpu.memory_space<vmem>> -> memref<4x100xi32, #tpu.memory_space<vmem>>
        %dma_wait3A_474 = arith.constant 0 : i32
        %dma_wait3A_475 = tpu.memref_slice %arg2[%mul3A_4, %dma_wait3A_474] : memref<8192x100xi32, #tpu.memory_space<hbm>> -> memref<4x100xi32, #tpu.memory_space<hbm>>
        tpu.wait_dma2 semaphore(%dma_wait3A_469 : memref<!tpu.dma_semaphore, #tpu.memory_space<semaphore_mem>>) src(%dma_wait3A_475 : memref<4x100xi32, #tpu.memory_space<hbm>>) dst(%dma_wait3A_473 : memref<4x100xi32, #tpu.memory_space<vmem>>)
        %dma_start3A_476 = arith.constant 1 : i32
        %dma_start3A_477 = arith.constant 0 : i32
        %dma_start3A_478 = arith.constant 1 : i32
        %dma_start3A_479 = arith.constant 0 : i32
        %dma_start3A_480 = arith.constant 1 : i32
        %dma_start3A_481 = arith.constant 0 : i32
        %dma_start3A_482 = arith.constant 0 : i32
        %dma_start3A_483 = tpu.memref_slice %arg7[%dma_start3A_478, %dma_start3A_479, %dma_start3A_481, %dma_start3A_482] : memref<2x2x200x128xf32, #tpu.memory_space<vmem>> -> memref<1x1x100x128xf32, #tpu.memory_space<vmem>>
        %dma_start3A_484 = tpu.memref_squeeze %dma_start3A_483 : memref<1x1x100x128xf32, #tpu.memory_space<vmem>> -> memref<100x128xf32, #tpu.memory_space<vmem>>
        %dma_start3A_485 = arith.constant 0 : i32
        %dma_start3A_486 = tpu.memref_slice %arg6[%dma_start3A_476, %dma_start3A_477, %dma_start3A_485] : memref<2x4x100xi32, #tpu.memory_space<vmem>> -> memref<1x1x100xi32, #tpu.memory_space<vmem>>
        %dma_start3A_487 = tpu.memref_squeeze %dma_start3A_486 : memref<1x1x100xi32, #tpu.memory_space<vmem>> -> memref<100xi32, #tpu.memory_space<vmem>>
        %dma_start3A_488 = arith.constant 0 : i32
        %dma_start3A_489 = arith.constant 0 : i32
        %dma_start3A_490 = tpu.memref_slice %arg3[%dma_start3A_488, %dma_start3A_489] : memref<100000x128xf32, #tpu.memory_space<hbm>> -> memref<100000x128xf32, #tpu.memory_space<hbm>>
        %dma_start3A_491 = tpu.memref_slice %arg10[%dma_start3A_480] : memref<2x!tpu.dma_semaphore, #tpu.memory_space<semaphore_mem>> -> memref<1x!tpu.dma_semaphore, #tpu.memory_space<semaphore_mem>>
        %dma_start3A_492 = tpu.memref_squeeze %dma_start3A_491 : memref<1x!tpu.dma_semaphore, #tpu.memory_space<semaphore_mem>> -> memref<!tpu.dma_semaphore, #tpu.memory_space<semaphore_mem>>
        tpu.enqueue_indirect_dma source(%dma_start3A_490 : memref<100000x128xf32, #tpu.memory_space<hbm>>) target(%dma_start3A_484 : memref<100x128xf32, #tpu.memory_space<vmem>>) offsets(%dma_start3A_487 : memref<100xi32, #tpu.memory_space<vmem>>) semaphore(%dma_start3A_492 : memref<!tpu.dma_semaphore, #tpu.memory_space<semaphore_mem>>)
        %dma_start3A_493 = arith.constant 1 : i32
        %dma_start3A_494 = arith.constant 1 : i32
        %dma_start3A_495 = arith.constant 1 : i32
        %dma_start3A_496 = arith.constant 0 : i32
        %dma_start3A_497 = arith.constant 1 : i32
        %dma_start3A_498 = arith.constant 100 : i32
        %dma_start3A_499 = arith.constant 0 : i32
        %dma_start3A_500 = tpu.memref_slice %arg7[%dma_start3A_495, %dma_start3A_496, %dma_start3A_498, %dma_start3A_499] : memref<2x2x200x128xf32, #tpu.memory_space<vmem>> -> memref<1x1x100x128xf32, #tpu.memory_space<vmem>>
        %dma_start3A_501 = tpu.memref_squeeze %dma_start3A_500 : memref<1x1x100x128xf32, #tpu.memory_space<vmem>> -> memref<100x128xf32, #tpu.memory_space<vmem>>
        %dma_start3A_502 = arith.constant 0 : i32
        %dma_start3A_503 = tpu.memref_slice %arg6[%dma_start3A_493, %dma_start3A_494, %dma_start3A_502] : memref<2x4x100xi32, #tpu.memory_space<vmem>> -> memref<1x1x100xi32, #tpu.memory_space<vmem>>
        %dma_start3A_504 = tpu.memref_squeeze %dma_start3A_503 : memref<1x1x100xi32, #tpu.memory_space<vmem>> -> memref<100xi32, #tpu.memory_space<vmem>>
        %dma_start3A_505 = arith.constant 0 : i32
        %dma_start3A_506 = arith.constant 0 : i32
        %dma_start3A_507 = tpu.memref_slice %arg3[%dma_start3A_505, %dma_start3A_506] : memref<100000x128xf32, #tpu.memory_space<hbm>> -> memref<100000x128xf32, #tpu.memory_space<hbm>>
        %dma_start3A_508 = tpu.memref_slice %arg10[%dma_start3A_497] : memref<2x!tpu.dma_semaphore, #tpu.memory_space<semaphore_mem>> -> memref<1x!tpu.dma_semaphore, #tpu.memory_space<semaphore_mem>>
        %dma_start3A_509 = tpu.memref_squeeze %dma_start3A_508 : memref<1x!tpu.dma_semaphore, #tpu.memory_space<semaphore_mem>> -> memref<!tpu.dma_semaphore, #tpu.memory_space<semaphore_mem>>
        tpu.enqueue_indirect_dma source(%dma_start3A_507 : memref<100000x128xf32, #tpu.memory_space<hbm>>) target(%dma_start3A_501 : memref<100x128xf32, #tpu.memory_space<vmem>>) offsets(%dma_start3A_504 : memref<100xi32, #tpu.memory_space<vmem>>) semaphore(%dma_start3A_509 : memref<!tpu.dma_semaphore, #tpu.memory_space<semaphore_mem>>)
        %dma_start3A_510 = arith.constant 1 : i32
        %dma_start3A_511 = arith.constant 2 : i32
        %dma_start3A_512 = arith.constant 1 : i32
        %dma_start3A_513 = arith.constant 1 : i32
        %dma_start3A_514 = arith.constant 1 : i32
        %dma_start3A_515 = arith.constant 0 : i32
        %dma_start3A_516 = arith.constant 0 : i32
        %dma_start3A_517 = tpu.memref_slice %arg7[%dma_start3A_512, %dma_start3A_513, %dma_start3A_515, %dma_start3A_516] : memref<2x2x200x128xf32, #tpu.memory_space<vmem>> -> memref<1x1x100x128xf32, #tpu.memory_space<vmem>>
        %dma_start3A_518 = tpu.memref_squeeze %dma_start3A_517 : memref<1x1x100x128xf32, #tpu.memory_space<vmem>> -> memref<100x128xf32, #tpu.memory_space<vmem>>
        %dma_start3A_519 = arith.constant 0 : i32
        %dma_start3A_520 = tpu.memref_slice %arg6[%dma_start3A_510, %dma_start3A_511, %dma_start3A_519] : memref<2x4x100xi32, #tpu.memory_space<vmem>> -> memref<1x1x100xi32, #tpu.memory_space<vmem>>
        %dma_start3A_521 = tpu.memref_squeeze %dma_start3A_520 : memref<1x1x100xi32, #tpu.memory_space<vmem>> -> memref<100xi32, #tpu.memory_space<vmem>>
        %dma_start3A_522 = arith.constant 0 : i32
        %dma_start3A_523 = arith.constant 0 : i32
        %dma_start3A_524 = tpu.memref_slice %arg3[%dma_start3A_522, %dma_start3A_523] : memref<100000x128xf32, #tpu.memory_space<hbm>> -> memref<100000x128xf32, #tpu.memory_space<hbm>>
        %dma_start3A_525 = tpu.memref_slice %arg10[%dma_start3A_514] : memref<2x!tpu.dma_semaphore, #tpu.memory_space<semaphore_mem>> -> memref<1x!tpu.dma_semaphore, #tpu.memory_space<semaphore_mem>>
        %dma_start3A_526 = tpu.memref_squeeze %dma_start3A_525 : memref<1x!tpu.dma_semaphore, #tpu.memory_space<semaphore_mem>> -> memref<!tpu.dma_semaphore, #tpu.memory_space<semaphore_mem>>
        tpu.enqueue_indirect_dma source(%dma_start3A_524 : memref<100000x128xf32, #tpu.memory_space<hbm>>) target(%dma_start3A_518 : memref<100x128xf32, #tpu.memory_space<vmem>>) offsets(%dma_start3A_521 : memref<100xi32, #tpu.memory_space<vmem>>) semaphore(%dma_start3A_526 : memref<!tpu.dma_semaphore, #tpu.memory_space<semaphore_mem>>)
        %dma_start3A_527 = arith.constant 1 : i32
        %dma_start3A_528 = arith.constant 3 : i32
        %dma_start3A_529 = arith.constant 1 : i32
        %dma_start3A_530 = arith.constant 1 : i32
        %dma_start3A_531 = arith.constant 1 : i32
        %dma_start3A_532 = arith.constant 100 : i32
        %dma_start3A_533 = arith.constant 0 : i32
        %dma_start3A_534 = tpu.memref_slice %arg7[%dma_start3A_529, %dma_start3A_530, %dma_start3A_532, %dma_start3A_533] : memref<2x2x200x128xf32, #tpu.memory_space<vmem>> -> memref<1x1x100x128xf32, #tpu.memory_space<vmem>>
        %dma_start3A_535 = tpu.memref_squeeze %dma_start3A_534 : memref<1x1x100x128xf32, #tpu.memory_space<vmem>> -> memref<100x128xf32, #tpu.memory_space<vmem>>
        %dma_start3A_536 = arith.constant 0 : i32
        %dma_start3A_537 = tpu.memref_slice %arg6[%dma_start3A_527, %dma_start3A_528, %dma_start3A_536] : memref<2x4x100xi32, #tpu.memory_space<vmem>> -> memref<1x1x100xi32, #tpu.memory_space<vmem>>
        %dma_start3A_538 = tpu.memref_squeeze %dma_start3A_537 : memref<1x1x100xi32, #tpu.memory_space<vmem>> -> memref<100xi32, #tpu.memory_space<vmem>>
        %dma_start3A_539 = arith.constant 0 : i32
        %dma_start3A_540 = arith.constant 0 : i32
        %dma_start3A_541 = tpu.memref_slice %arg3[%dma_start3A_539, %dma_start3A_540] : memref<100000x128xf32, #tpu.memory_space<hbm>> -> memref<100000x128xf32, #tpu.memory_space<hbm>>
        %dma_start3A_542 = tpu.memref_slice %arg10[%dma_start3A_531] : memref<2x!tpu.dma_semaphore, #tpu.memory_space<semaphore_mem>> -> memref<1x!tpu.dma_semaphore, #tpu.memory_space<semaphore_mem>>
        %dma_start3A_543 = tpu.memref_squeeze %dma_start3A_542 : memref<1x!tpu.dma_semaphore, #tpu.memory_space<semaphore_mem>> -> memref<!tpu.dma_semaphore, #tpu.memory_space<semaphore_mem>>
        tpu.enqueue_indirect_dma source(%dma_start3A_541 : memref<100000x128xf32, #tpu.memory_space<hbm>>) target(%dma_start3A_535 : memref<100x128xf32, #tpu.memory_space<vmem>>) offsets(%dma_start3A_538 : memref<100xi32, #tpu.memory_space<vmem>>) semaphore(%dma_start3A_543 : memref<!tpu.dma_semaphore, #tpu.memory_space<semaphore_mem>>)
      } else {
      }
      %dma_wait3A_202 = arith.constant 0 : i32
      %dma_wait3A_203 = arith.constant 0 : i32
      %dma_wait3A_204 = arith.constant 0 : i32
      %dma_wait3A_205 = arith.constant 0 : i32
      %dma_wait3A_206 = arith.constant 0 : i32
      %dma_wait3A_207 = arith.constant 0 : i32
      %dma_wait3A_208 = arith.constant 0 : i32
      %dma_wait3A_209 = tpu.memref_slice %arg7[%dma_wait3A_204, %dma_wait3A_205, %dma_wait3A_207, %dma_wait3A_208] : memref<2x2x200x128xf32, #tpu.memory_space<vmem>> -> memref<1x1x100x128xf32, #tpu.memory_space<vmem>>
      %dma_wait3A_210 = tpu.memref_squeeze %dma_wait3A_209 : memref<1x1x100x128xf32, #tpu.memory_space<vmem>> -> memref<100x128xf32, #tpu.memory_space<vmem>>
      %dma_wait3A_211 = arith.constant 0 : i32
      %dma_wait3A_212 = tpu.memref_slice %arg6[%dma_wait3A_202, %dma_wait3A_203, %dma_wait3A_211] : memref<2x4x100xi32, #tpu.memory_space<vmem>> -> memref<1x1x100xi32, #tpu.memory_space<vmem>>
      %dma_wait3A_213 = tpu.memref_squeeze %dma_wait3A_212 : memref<1x1x100xi32, #tpu.memory_space<vmem>> -> memref<100xi32, #tpu.memory_space<vmem>>
      %dma_wait3A_214 = arith.constant 0 : i32
      %dma_wait3A_215 = arith.constant 0 : i32
      %dma_wait3A_216 = tpu.memref_slice %arg3[%dma_wait3A_214, %dma_wait3A_215] : memref<100000x128xf32, #tpu.memory_space<hbm>> -> memref<100000x128xf32, #tpu.memory_space<hbm>>
      %dma_wait3A_217 = tpu.memref_slice %arg10[%dma_wait3A_206] : memref<2x!tpu.dma_semaphore, #tpu.memory_space<semaphore_mem>> -> memref<1x!tpu.dma_semaphore, #tpu.memory_space<semaphore_mem>>
      %dma_wait3A_218 = tpu.memref_squeeze %dma_wait3A_217 : memref<1x!tpu.dma_semaphore, #tpu.memory_space<semaphore_mem>> -> memref<!tpu.dma_semaphore, #tpu.memory_space<semaphore_mem>>
      tpu.wait_indirect_dma semaphore(%dma_wait3A_218 : memref<!tpu.dma_semaphore, #tpu.memory_space<semaphore_mem>>) src(%dma_wait3A_216 : memref<100000x128xf32, #tpu.memory_space<hbm>>) dst(%dma_wait3A_210 : memref<100x128xf32, #tpu.memory_space<vmem>>)
      %dma_wait3A_219 = arith.constant 0 : i32
      %dma_wait3A_220 = arith.constant 1 : i32
      %dma_wait3A_221 = arith.constant 0 : i32
      %dma_wait3A_222 = arith.constant 0 : i32
      %dma_wait3A_223 = arith.constant 0 : i32
      %dma_wait3A_224 = arith.constant 100 : i32
      %dma_wait3A_225 = arith.constant 0 : i32
      %dma_wait3A_226 = tpu.memref_slice %arg7[%dma_wait3A_221, %dma_wait3A_222, %dma_wait3A_224, %dma_wait3A_225] : memref<2x2x200x128xf32, #tpu.memory_space<vmem>> -> memref<1x1x100x128xf32, #tpu.memory_space<vmem>>
      %dma_wait3A_227 = tpu.memref_squeeze %dma_wait3A_226 : memref<1x1x100x128xf32, #tpu.memory_space<vmem>> -> memref<100x128xf32, #tpu.memory_space<vmem>>
      %dma_wait3A_228 = arith.constant 0 : i32
      %dma_wait3A_229 = tpu.memref_slice %arg6[%dma_wait3A_219, %dma_wait3A_220, %dma_wait3A_228] : memref<2x4x100xi32, #tpu.memory_space<vmem>> -> memref<1x1x100xi32, #tpu.memory_space<vmem>>
      %dma_wait3A_230 = tpu.memref_squeeze %dma_wait3A_229 : memref<1x1x100xi32, #tpu.memory_space<vmem>> -> memref<100xi32, #tpu.memory_space<vmem>>
      %dma_wait3A_231 = arith.constant 0 : i32
      %dma_wait3A_232 = arith.constant 0 : i32
      %dma_wait3A_233 = tpu.memref_slice %arg3[%dma_wait3A_231, %dma_wait3A_232] : memref<100000x128xf32, #tpu.memory_space<hbm>> -> memref<100000x128xf32, #tpu.memory_space<hbm>>
      %dma_wait3A_234 = tpu.memref_slice %arg10[%dma_wait3A_223] : memref<2x!tpu.dma_semaphore, #tpu.memory_space<semaphore_mem>> -> memref<1x!tpu.dma_semaphore, #tpu.memory_space<semaphore_mem>>
      %dma_wait3A_235 = tpu.memref_squeeze %dma_wait3A_234 : memref<1x!tpu.dma_semaphore, #tpu.memory_space<semaphore_mem>> -> memref<!tpu.dma_semaphore, #tpu.memory_space<semaphore_mem>>
      tpu.wait_indirect_dma semaphore(%dma_wait3A_235 : memref<!tpu.dma_semaphore, #tpu.memory_space<semaphore_mem>>) src(%dma_wait3A_233 : memref<100000x128xf32, #tpu.memory_space<hbm>>) dst(%dma_wait3A_227 : memref<100x128xf32, #tpu.memory_space<vmem>>)
      %dma_wait3A_236 = arith.constant 0 : i32
      %dma_wait3A_237 = arith.constant 2 : i32
      %dma_wait3A_238 = arith.constant 0 : i32
      %dma_wait3A_239 = arith.constant 1 : i32
      %dma_wait3A_240 = arith.constant 0 : i32
      %dma_wait3A_241 = arith.constant 0 : i32
      %dma_wait3A_242 = arith.constant 0 : i32
      %dma_wait3A_243 = tpu.memref_slice %arg7[%dma_wait3A_238, %dma_wait3A_239, %dma_wait3A_241, %dma_wait3A_242] : memref<2x2x200x128xf32, #tpu.memory_space<vmem>> -> memref<1x1x100x128xf32, #tpu.memory_space<vmem>>
      %dma_wait3A_244 = tpu.memref_squeeze %dma_wait3A_243 : memref<1x1x100x128xf32, #tpu.memory_space<vmem>> -> memref<100x128xf32, #tpu.memory_space<vmem>>
      %dma_wait3A_245 = arith.constant 0 : i32
      %dma_wait3A_246 = tpu.memref_slice %arg6[%dma_wait3A_236, %dma_wait3A_237, %dma_wait3A_245] : memref<2x4x100xi32, #tpu.memory_space<vmem>> -> memref<1x1x100xi32, #tpu.memory_space<vmem>>
      %dma_wait3A_247 = tpu.memref_squeeze %dma_wait3A_246 : memref<1x1x100xi32, #tpu.memory_space<vmem>> -> memref<100xi32, #tpu.memory_space<vmem>>
      %dma_wait3A_248 = arith.constant 0 : i32
      %dma_wait3A_249 = arith.constant 0 : i32
      %dma_wait3A_250 = tpu.memref_slice %arg3[%dma_wait3A_248, %dma_wait3A_249] : memref<100000x128xf32, #tpu.memory_space<hbm>> -> memref<100000x128xf32, #tpu.memory_space<hbm>>
      %dma_wait3A_251 = tpu.memref_slice %arg10[%dma_wait3A_240] : memref<2x!tpu.dma_semaphore, #tpu.memory_space<semaphore_mem>> -> memref<1x!tpu.dma_semaphore, #tpu.memory_space<semaphore_mem>>
      %dma_wait3A_252 = tpu.memref_squeeze %dma_wait3A_251 : memref<1x!tpu.dma_semaphore, #tpu.memory_space<semaphore_mem>> -> memref<!tpu.dma_semaphore, #tpu.memory_space<semaphore_mem>>
      tpu.wait_indirect_dma semaphore(%dma_wait3A_252 : memref<!tpu.dma_semaphore, #tpu.memory_space<semaphore_mem>>) src(%dma_wait3A_250 : memref<100000x128xf32, #tpu.memory_space<hbm>>) dst(%dma_wait3A_244 : memref<100x128xf32, #tpu.memory_space<vmem>>)
      %dma_wait3A_253 = arith.constant 0 : i32
      %dma_wait3A_254 = arith.constant 3 : i32
      %dma_wait3A_255 = arith.constant 0 : i32
      %dma_wait3A_256 = arith.constant 1 : i32
      %dma_wait3A_257 = arith.constant 0 : i32
      %dma_wait3A_258 = arith.constant 100 : i32
      %dma_wait3A_259 = arith.constant 0 : i32
      %dma_wait3A_260 = tpu.memref_slice %arg7[%dma_wait3A_255, %dma_wait3A_256, %dma_wait3A_258, %dma_wait3A_259] : memref<2x2x200x128xf32, #tpu.memory_space<vmem>> -> memref<1x1x100x128xf32, #tpu.memory_space<vmem>>
      %dma_wait3A_261 = tpu.memref_squeeze %dma_wait3A_260 : memref<1x1x100x128xf32, #tpu.memory_space<vmem>> -> memref<100x128xf32, #tpu.memory_space<vmem>>
      %dma_wait3A_262 = arith.constant 0 : i32
      %dma_wait3A_263 = tpu.memref_slice %arg6[%dma_wait3A_253, %dma_wait3A_254, %dma_wait3A_262] : memref<2x4x100xi32, #tpu.memory_space<vmem>> -> memref<1x1x100xi32, #tpu.memory_space<vmem>>
      %dma_wait3A_264 = tpu.memref_squeeze %dma_wait3A_263 : memref<1x1x100xi32, #tpu.memory_space<vmem>> -> memref<100xi32, #tpu.memory_space<vmem>>
      %dma_wait3A_265 = arith.constant 0 : i32
      %dma_wait3A_266 = arith.constant 0 : i32
      %dma_wait3A_267 = tpu.memref_slice %arg3[%dma_wait3A_265, %dma_wait3A_266] : memref<100000x128xf32, #tpu.memory_space<hbm>> -> memref<100000x128xf32, #tpu.memory_space<hbm>>
      %dma_wait3A_268 = tpu.memref_slice %arg10[%dma_wait3A_257] : memref<2x!tpu.dma_semaphore, #tpu.memory_space<semaphore_mem>> -> memref<1x!tpu.dma_semaphore, #tpu.memory_space<semaphore_mem>>
      %dma_wait3A_269 = tpu.memref_squeeze %dma_wait3A_268 : memref<1x!tpu.dma_semaphore, #tpu.memory_space<semaphore_mem>> -> memref<!tpu.dma_semaphore, #tpu.memory_space<semaphore_mem>>
      tpu.wait_indirect_dma semaphore(%dma_wait3A_269 : memref<!tpu.dma_semaphore, #tpu.memory_space<semaphore_mem>>) src(%dma_wait3A_267 : memref<100000x128xf32, #tpu.memory_space<hbm>>) dst(%dma_wait3A_261 : memref<100x128xf32, #tpu.memory_space<vmem>>)
      %add3A_270 = arith.constant 2 : i32
      %add3A_271 = arith.addi %add3A_195, %add3A_270 : i32
      %min3A_272 = arith.constant 63 : i32
      %min3A_273 = arith.minsi %add3A_271, %min3A_272 : i32
      %mul3A_274 = arith.constant 4 : i32
      %mul3A_275 = arith.muli %min3A_273, %mul3A_274 : i32
      %add3A_276 = arith.addi %mul3A_4, %mul3A_275 : i32
      %dma_start3A_277 = arith.constant 0 : i32
      %dma_start3A_278 = arith.constant 0 : i32
      %dma_start3A_279 = arith.constant 0 : i32
      %dma_start3A_280 = arith.constant 0 : i32
      %dma_start3A_281 = tpu.memref_slice %arg6[%dma_start3A_277, %dma_start3A_279, %dma_start3A_280] : memref<2x4x100xi32, #tpu.memory_space<vmem>> -> memref<1x4x100xi32, #tpu.memory_space<vmem>>
      %dma_start3A_282 = tpu.memref_squeeze %dma_start3A_281 : memref<1x4x100xi32, #tpu.memory_space<vmem>> -> memref<4x100xi32, #tpu.memory_space<vmem>>
      %dma_start3A_283 = arith.constant 0 : i32
      %dma_start3A_284 = tpu.memref_slice %arg2[%add3A_276, %dma_start3A_283] : memref<8192x100xi32, #tpu.memory_space<hbm>> -> memref<4x100xi32, #tpu.memory_space<hbm>>
      %dma_start3A_285 = tpu.memref_slice %arg9[%dma_start3A_278] : memref<2x!tpu.dma_semaphore, #tpu.memory_space<semaphore_mem>> -> memref<1x!tpu.dma_semaphore, #tpu.memory_space<semaphore_mem>>
      %dma_start3A_286 = tpu.memref_squeeze %dma_start3A_285 : memref<1x!tpu.dma_semaphore, #tpu.memory_space<semaphore_mem>> -> memref<!tpu.dma_semaphore, #tpu.memory_space<semaphore_mem>>
      %dma_start3A_287 = arith.constant 0 : i32
      %dma_start3A_288 = arith.constant 0 : i32
      %dma_start3A_289 = tpu.memref_slice %arg6[%dma_start3A_277, %dma_start3A_287, %dma_start3A_288] : memref<2x4x100xi32, #tpu.memory_space<vmem>> -> memref<1x4x100xi32, #tpu.memory_space<vmem>>
      %dma_start3A_290 = tpu.memref_squeeze %dma_start3A_289 : memref<1x4x100xi32, #tpu.memory_space<vmem>> -> memref<4x100xi32, #tpu.memory_space<vmem>>
      %dma_start3A_291 = arith.constant 0 : i32
      %dma_start3A_292 = tpu.memref_slice %arg2[%add3A_276, %dma_start3A_291] : memref<8192x100xi32, #tpu.memory_space<hbm>> -> memref<4x100xi32, #tpu.memory_space<hbm>>
      tpu.enqueue_dma source(%dma_start3A_292 : memref<4x100xi32, #tpu.memory_space<hbm>>) target(%dma_start3A_290 : memref<4x100xi32, #tpu.memory_space<vmem>>) target_semaphore(%dma_start3A_286 : memref<!tpu.dma_semaphore, #tpu.memory_space<semaphore_mem>>)
      %scan3A_293 = arith.constant 0 : i32
      %scan3A_294 = arith.constant 0 : i32
      %scan3A_295 = arith.constant 200 : i32
      %scan3A_296 = arith.addi %scan3A_294, %scan3A_295 : i32
      %scan3A_297 = arith.constant 2 : i32
      scf.for %scan3A_460 = %scan3A_294 to %scan3A_296 step %scan3A_297  : i32 {
        %mul3A_461 = arith.constant 128 : i32
        %mul3A_462 = arith.muli %scan3A_460, %mul3A_461 : i32
        %add3A_463 = arith.constant 0 : i32
        %add3A_464 = arith.addi %mul3A_462, %add3A_463 : i32
        %get3A = arith.index_cast %add3A_464 : i32 to index
        %get3A_465 = tpu.vector_load %arg8[%get3A] {strides = array<i32>} : memref<25600xf32, #tpu.memory_space<vmem>>, vector<16xf32>,
        %get3A_466 = vector.shape_cast %get3A_465 : vector<16xf32> to vector<16xf32>
        %add3A_467 = arith.constant 16 : i32
        %add3A_468 = arith.addi %mul3A_462, %add3A_467 : i32
        %get3A_469 = arith.index_cast %add3A_468 : i32 to index
        %get3A_470 = tpu.vector_load %arg8[%get3A_469] {strides = array<i32>} : memref<25600xf32, #tpu.memory_space<vmem>>, vector<16xf32>,
        %get3A_471 = vector.shape_cast %get3A_470 : vector<16xf32> to vector<16xf32>
        %add3A_472 = arith.constant 32 : i32
        %add3A_473 = arith.addi %mul3A_462, %add3A_472 : i32
        %get3A_474 = arith.index_cast %add3A_473 : i32 to index
        %get3A_475 = tpu.vector_load %arg8[%get3A_474] {strides = array<i32>} : memref<25600xf32, #tpu.memory_space<vmem>>, vector<16xf32>,
        %get3A_476 = vector.shape_cast %get3A_475 : vector<16xf32> to vector<16xf32>
        %add3A_477 = arith.constant 48 : i32
        %add3A_478 = arith.addi %mul3A_462, %add3A_477 : i32
        %get3A_479 = arith.index_cast %add3A_478 : i32 to index
        %get3A_480 = tpu.vector_load %arg8[%get3A_479] {strides = array<i32>} : memref<25600xf32, #tpu.memory_space<vmem>>, vector<16xf32>,
        %get3A_481 = vector.shape_cast %get3A_480 : vector<16xf32> to vector<16xf32>
        %add3A_482 = arith.constant 64 : i32
        %add3A_483 = arith.addi %mul3A_462, %add3A_482 : i32
        %get3A_484 = arith.index_cast %add3A_483 : i32 to index
        %get3A_485 = tpu.vector_load %arg8[%get3A_484] {strides = array<i32>} : memref<25600xf32, #tpu.memory_space<vmem>>, vector<16xf32>,
        %get3A_486 = vector.shape_cast %get3A_485 : vector<16xf32> to vector<16xf32>
        %add3A_487 = arith.constant 80 : i32
        %add3A_488 = arith.addi %mul3A_462, %add3A_487 : i32
        %get3A_489 = arith.index_cast %add3A_488 : i32 to index
        %get3A_490 = tpu.vector_load %arg8[%get3A_489] {strides = array<i32>} : memref<25600xf32, #tpu.memory_space<vmem>>, vector<16xf32>,
        %get3A_491 = vector.shape_cast %get3A_490 : vector<16xf32> to vector<16xf32>
        %add3A_492 = arith.constant 96 : i32
        %add3A_493 = arith.addi %mul3A_462, %add3A_492 : i32
        %get3A_494 = arith.index_cast %add3A_493 : i32 to index
        %get3A_495 = tpu.vector_load %arg8[%get3A_494] {strides = array<i32>} : memref<25600xf32, #tpu.memory_space<vmem>>, vector<16xf32>,
        %get3A_496 = vector.shape_cast %get3A_495 : vector<16xf32> to vector<16xf32>
        %add3A_497 = arith.constant 112 : i32
        %add3A_498 = arith.addi %mul3A_462, %add3A_497 : i32
        %get3A_499 = arith.index_cast %add3A_498 : i32 to index
        %get3A_500 = tpu.vector_load %arg8[%get3A_499] {strides = array<i32>} : memref<25600xf32, #tpu.memory_space<vmem>>, vector<16xf32>,
        %get3A_501 = vector.shape_cast %get3A_500 : vector<16xf32> to vector<16xf32>
        %swap3A = arith.constant 0 : i32
        %swap3A_502 = arith.constant 0 : i32
        %swap3A_503 = arith.index_cast %swap3A : i32 to index
        %swap3A_504 = arith.index_cast %swap3A_502 : i32 to index
        %swap3A_505 = arith.index_cast %scan3A_460 : i32 to index
        %swap3A_506 = arith.constant 0 : index
        %swap3A_507 = tpu.vector_load %arg7[%swap3A_503, %swap3A_504, %swap3A_505, %swap3A_506] {strides = array<i32>} : memref<2x2x200x128xf32, #tpu.memory_space<vmem>>, vector<1x1x1x16xf32>,
        %swap3A_508 = vector.shape_cast %swap3A_507 : vector<1x1x1x16xf32> to vector<16xf32>
        %swap3A_509 = vector.shape_cast %get3A_466 : vector<16xf32> to vector<1x1x1x16xf32>
        tpu.vector_store %arg7[%swap3A_503, %swap3A_504, %swap3A_505, %swap3A_506], %swap3A_509 {add = true, strides = array<i32>} : memref<2x2x200x128xf32, #tpu.memory_space<vmem>>, vector<1x1x1x16xf32>,
        %swap3A_510 = arith.constant 0 : i32
        %swap3A_511 = arith.constant 0 : i32
        %swap3A_512 = arith.index_cast %swap3A_510 : i32 to index
        %swap3A_513 = arith.index_cast %swap3A_511 : i32 to index
        %swap3A_514 = arith.index_cast %scan3A_460 : i32 to index
        %swap3A_515 = arith.constant 16 : index
        %swap3A_516 = tpu.vector_load %arg7[%swap3A_512, %swap3A_513, %swap3A_514, %swap3A_515] {strides = array<i32>} : memref<2x2x200x128xf32, #tpu.memory_space<vmem>>, vector<1x1x1x16xf32>,
        %swap3A_517 = vector.shape_cast %swap3A_516 : vector<1x1x1x16xf32> to vector<16xf32>
        %swap3A_518 = vector.shape_cast %get3A_471 : vector<16xf32> to vector<1x1x1x16xf32>
        tpu.vector_store %arg7[%swap3A_512, %swap3A_513, %swap3A_514, %swap3A_515], %swap3A_518 {add = true, strides = array<i32>} : memref<2x2x200x128xf32, #tpu.memory_space<vmem>>, vector<1x1x1x16xf32>,
        %swap3A_519 = arith.constant 0 : i32
        %swap3A_520 = arith.constant 0 : i32
        %swap3A_521 = arith.index_cast %swap3A_519 : i32 to index
        %swap3A_522 = arith.index_cast %swap3A_520 : i32 to index
        %swap3A_523 = arith.index_cast %scan3A_460 : i32 to index
        %swap3A_524 = arith.constant 32 : index
        %swap3A_525 = tpu.vector_load %arg7[%swap3A_521, %swap3A_522, %swap3A_523, %swap3A_524] {strides = array<i32>} : memref<2x2x200x128xf32, #tpu.memory_space<vmem>>, vector<1x1x1x16xf32>,
        %swap3A_526 = vector.shape_cast %swap3A_525 : vector<1x1x1x16xf32> to vector<16xf32>
        %swap3A_527 = vector.shape_cast %get3A_476 : vector<16xf32> to vector<1x1x1x16xf32>
        tpu.vector_store %arg7[%swap3A_521, %swap3A_522, %swap3A_523, %swap3A_524], %swap3A_527 {add = true, strides = array<i32>} : memref<2x2x200x128xf32, #tpu.memory_space<vmem>>, vector<1x1x1x16xf32>,
        %swap3A_528 = arith.constant 0 : i32
        %swap3A_529 = arith.constant 0 : i32
        %swap3A_530 = arith.index_cast %swap3A_528 : i32 to index
        %swap3A_531 = arith.index_cast %swap3A_529 : i32 to index
        %swap3A_532 = arith.index_cast %scan3A_460 : i32 to index
        %swap3A_533 = arith.constant 48 : index
        %swap3A_534 = tpu.vector_load %arg7[%swap3A_530, %swap3A_531, %swap3A_532, %swap3A_533] {strides = array<i32>} : memref<2x2x200x128xf32, #tpu.memory_space<vmem>>, vector<1x1x1x16xf32>,
        %swap3A_535 = vector.shape_cast %swap3A_534 : vector<1x1x1x16xf32> to vector<16xf32>
        %swap3A_536 = vector.shape_cast %get3A_481 : vector<16xf32> to vector<1x1x1x16xf32>
        tpu.vector_store %arg7[%swap3A_530, %swap3A_531, %swap3A_532, %swap3A_533], %swap3A_536 {add = true, strides = array<i32>} : memref<2x2x200x128xf32, #tpu.memory_space<vmem>>, vector<1x1x1x16xf32>,
        %swap3A_537 = arith.constant 0 : i32
        %swap3A_538 = arith.constant 0 : i32
        %swap3A_539 = arith.index_cast %swap3A_537 : i32 to index
        %swap3A_540 = arith.index_cast %swap3A_538 : i32 to index
        %swap3A_541 = arith.index_cast %scan3A_460 : i32 to index
        %swap3A_542 = arith.constant 64 : index
        %swap3A_543 = tpu.vector_load %arg7[%swap3A_539, %swap3A_540, %swap3A_541, %swap3A_542] {strides = array<i32>} : memref<2x2x200x128xf32, #tpu.memory_space<vmem>>, vector<1x1x1x16xf32>,
        %swap3A_544 = vector.shape_cast %swap3A_543 : vector<1x1x1x16xf32> to vector<16xf32>
        %swap3A_545 = vector.shape_cast %get3A_486 : vector<16xf32> to vector<1x1x1x16xf32>
        tpu.vector_store %arg7[%swap3A_539, %swap3A_540, %swap3A_541, %swap3A_542], %swap3A_545 {add = true, strides = array<i32>} : memref<2x2x200x128xf32, #tpu.memory_space<vmem>>, vector<1x1x1x16xf32>,
        %swap3A_546 = arith.constant 0 : i32
        %swap3A_547 = arith.constant 0 : i32
        %swap3A_548 = arith.index_cast %swap3A_546 : i32 to index
        %swap3A_549 = arith.index_cast %swap3A_547 : i32 to index
        %swap3A_550 = arith.index_cast %scan3A_460 : i32 to index
        %swap3A_551 = arith.constant 80 : index
        %swap3A_552 = tpu.vector_load %arg7[%swap3A_548, %swap3A_549, %swap3A_550, %swap3A_551] {strides = array<i32>} : memref<2x2x200x128xf32, #tpu.memory_space<vmem>>, vector<1x1x1x16xf32>,
        %swap3A_553 = vector.shape_cast %swap3A_552 : vector<1x1x1x16xf32> to vector<16xf32>
        %swap3A_554 = vector.shape_cast %get3A_491 : vector<16xf32> to vector<1x1x1x16xf32>
        tpu.vector_store %arg7[%swap3A_548, %swap3A_549, %swap3A_550, %swap3A_551], %swap3A_554 {add = true, strides = array<i32>} : memref<2x2x200x128xf32, #tpu.memory_space<vmem>>, vector<1x1x1x16xf32>,
        %swap3A_555 = arith.constant 0 : i32
        %swap3A_556 = arith.constant 0 : i32
        %swap3A_557 = arith.index_cast %swap3A_555 : i32 to index
        %swap3A_558 = arith.index_cast %swap3A_556 : i32 to index
        %swap3A_559 = arith.index_cast %scan3A_460 : i32 to index
        %swap3A_560 = arith.constant 96 : index
        %swap3A_561 = tpu.vector_load %arg7[%swap3A_557, %swap3A_558, %swap3A_559, %swap3A_560] {strides = array<i32>} : memref<2x2x200x128xf32, #tpu.memory_space<vmem>>, vector<1x1x1x16xf32>,
        %swap3A_562 = vector.shape_cast %swap3A_561 : vector<1x1x1x16xf32> to vector<16xf32>
        %swap3A_563 = vector.shape_cast %get3A_496 : vector<16xf32> to vector<1x1x1x16xf32>
        tpu.vector_store %arg7[%swap3A_557, %swap3A_558, %swap3A_559, %swap3A_560], %swap3A_563 {add = true, strides = array<i32>} : memref<2x2x200x128xf32, #tpu.memory_space<vmem>>, vector<1x1x1x16xf32>,
        %swap3A_564 = arith.constant 0 : i32
        %swap3A_565 = arith.constant 0 : i32
        %swap3A_566 = arith.index_cast %swap3A_564 : i32 to index
        %swap3A_567 = arith.index_cast %swap3A_565 : i32 to index
        %swap3A_568 = arith.index_cast %scan3A_460 : i32 to index
        %swap3A_569 = arith.constant 112 : index
        %swap3A_570 = tpu.vector_load %arg7[%swap3A_566, %swap3A_567, %swap3A_568, %swap3A_569] {strides = array<i32>} : memref<2x2x200x128xf32, #tpu.memory_space<vmem>>, vector<1x1x1x16xf32>,
        %swap3A_571 = vector.shape_cast %swap3A_570 : vector<1x1x1x16xf32> to vector<16xf32>
        %swap3A_572 = vector.shape_cast %get3A_501 : vector<16xf32> to vector<1x1x1x16xf32>
        tpu.vector_store %arg7[%swap3A_566, %swap3A_567, %swap3A_568, %swap3A_569], %swap3A_572 {add = true, strides = array<i32>} : memref<2x2x200x128xf32, #tpu.memory_space<vmem>>, vector<1x1x1x16xf32>,
        %swap3A_573 = arith.constant 0 : i32
        %swap3A_574 = arith.constant 1 : i32
        %swap3A_575 = arith.index_cast %swap3A_573 : i32 to index
        %swap3A_576 = arith.index_cast %swap3A_574 : i32 to index
        %swap3A_577 = arith.index_cast %scan3A_460 : i32 to index
        %swap3A_578 = arith.constant 0 : index
        %swap3A_579 = tpu.vector_load %arg7[%swap3A_575, %swap3A_576, %swap3A_577, %swap3A_578] {strides = array<i32>} : memref<2x2x200x128xf32, #tpu.memory_space<vmem>>, vector<1x1x1x16xf32>,
        %swap3A_580 = vector.shape_cast %swap3A_579 : vector<1x1x1x16xf32> to vector<16xf32>
        %swap3A_581 = vector.shape_cast %get3A_466 : vector<16xf32> to vector<1x1x1x16xf32>
        tpu.vector_store %arg7[%swap3A_575, %swap3A_576, %swap3A_577, %swap3A_578], %swap3A_581 {add = true, strides = array<i32>} : memref<2x2x200x128xf32, #tpu.memory_space<vmem>>, vector<1x1x1x16xf32>,
        %swap3A_582 = arith.constant 0 : i32
        %swap3A_583 = arith.constant 1 : i32
        %swap3A_584 = arith.index_cast %swap3A_582 : i32 to index
        %swap3A_585 = arith.index_cast %swap3A_583 : i32 to index
        %swap3A_586 = arith.index_cast %scan3A_460 : i32 to index
        %swap3A_587 = arith.constant 16 : index
        %swap3A_588 = tpu.vector_load %arg7[%swap3A_584, %swap3A_585, %swap3A_586, %swap3A_587] {strides = array<i32>} : memref<2x2x200x128xf32, #tpu.memory_space<vmem>>, vector<1x1x1x16xf32>,
        %swap3A_589 = vector.shape_cast %swap3A_588 : vector<1x1x1x16xf32> to vector<16xf32>
        %swap3A_590 = vector.shape_cast %get3A_471 : vector<16xf32> to vector<1x1x1x16xf32>
        tpu.vector_store %arg7[%swap3A_584, %swap3A_585, %swap3A_586, %swap3A_587], %swap3A_590 {add = true, strides = array<i32>} : memref<2x2x200x128xf32, #tpu.memory_space<vmem>>, vector<1x1x1x16xf32>,
        %swap3A_591 = arith.constant 0 : i32
        %swap3A_592 = arith.constant 1 : i32
        %swap3A_593 = arith.index_cast %swap3A_591 : i32 to index
        %swap3A_594 = arith.index_cast %swap3A_592 : i32 to index
        %swap3A_595 = arith.index_cast %scan3A_460 : i32 to index
        %swap3A_596 = arith.constant 32 : index
        %swap3A_597 = tpu.vector_load %arg7[%swap3A_593, %swap3A_594, %swap3A_595, %swap3A_596] {strides = array<i32>} : memref<2x2x200x128xf32, #tpu.memory_space<vmem>>, vector<1x1x1x16xf32>,
        %swap3A_598 = vector.shape_cast %swap3A_597 : vector<1x1x1x16xf32> to vector<16xf32>
        %swap3A_599 = vector.shape_cast %get3A_476 : vector<16xf32> to vector<1x1x1x16xf32>
        tpu.vector_store %arg7[%swap3A_593, %swap3A_594, %swap3A_595, %swap3A_596], %swap3A_599 {add = true, strides = array<i32>} : memref<2x2x200x128xf32, #tpu.memory_space<vmem>>, vector<1x1x1x16xf32>,
        %swap3A_600 = arith.constant 0 : i32
        %swap3A_601 = arith.constant 1 : i32
        %swap3A_602 = arith.index_cast %swap3A_600 : i32 to index
        %swap3A_603 = arith.index_cast %swap3A_601 : i32 to index
        %swap3A_604 = arith.index_cast %scan3A_460 : i32 to index
        %swap3A_605 = arith.constant 48 : index
        %swap3A_606 = tpu.vector_load %arg7[%swap3A_602, %swap3A_603, %swap3A_604, %swap3A_605] {strides = array<i32>} : memref<2x2x200x128xf32, #tpu.memory_space<vmem>>, vector<1x1x1x16xf32>,
        %swap3A_607 = vector.shape_cast %swap3A_606 : vector<1x1x1x16xf32> to vector<16xf32>
        %swap3A_608 = vector.shape_cast %get3A_481 : vector<16xf32> to vector<1x1x1x16xf32>
        tpu.vector_store %arg7[%swap3A_602, %swap3A_603, %swap3A_604, %swap3A_605], %swap3A_608 {add = true, strides = array<i32>} : memref<2x2x200x128xf32, #tpu.memory_space<vmem>>, vector<1x1x1x16xf32>,
        %swap3A_609 = arith.constant 0 : i32
        %swap3A_610 = arith.constant 1 : i32
        %swap3A_611 = arith.index_cast %swap3A_609 : i32 to index
        %swap3A_612 = arith.index_cast %swap3A_610 : i32 to index
        %swap3A_613 = arith.index_cast %scan3A_460 : i32 to index
        %swap3A_614 = arith.constant 64 : index
        %swap3A_615 = tpu.vector_load %arg7[%swap3A_611, %swap3A_612, %swap3A_613, %swap3A_614] {strides = array<i32>} : memref<2x2x200x128xf32, #tpu.memory_space<vmem>>, vector<1x1x1x16xf32>,
        %swap3A_616 = vector.shape_cast %swap3A_615 : vector<1x1x1x16xf32> to vector<16xf32>
        %swap3A_617 = vector.shape_cast %get3A_486 : vector<16xf32> to vector<1x1x1x16xf32>
        tpu.vector_store %arg7[%swap3A_611, %swap3A_612, %swap3A_613, %swap3A_614], %swap3A_617 {add = true, strides = array<i32>} : memref<2x2x200x128xf32, #tpu.memory_space<vmem>>, vector<1x1x1x16xf32>,
        %swap3A_618 = arith.constant 0 : i32
        %swap3A_619 = arith.constant 1 : i32
        %swap3A_620 = arith.index_cast %swap3A_618 : i32 to index
        %swap3A_621 = arith.index_cast %swap3A_619 : i32 to index
        %swap3A_622 = arith.index_cast %scan3A_460 : i32 to index
        %swap3A_623 = arith.constant 80 : index
        %swap3A_624 = tpu.vector_load %arg7[%swap3A_620, %swap3A_621, %swap3A_622, %swap3A_623] {strides = array<i32>} : memref<2x2x200x128xf32, #tpu.memory_space<vmem>>, vector<1x1x1x16xf32>,
        %swap3A_625 = vector.shape_cast %swap3A_624 : vector<1x1x1x16xf32> to vector<16xf32>
        %swap3A_626 = vector.shape_cast %get3A_491 : vector<16xf32> to vector<1x1x1x16xf32>
        tpu.vector_store %arg7[%swap3A_620, %swap3A_621, %swap3A_622, %swap3A_623], %swap3A_626 {add = true, strides = array<i32>} : memref<2x2x200x128xf32, #tpu.memory_space<vmem>>, vector<1x1x1x16xf32>,
        %swap3A_627 = arith.constant 0 : i32
        %swap3A_628 = arith.constant 1 : i32
        %swap3A_629 = arith.index_cast %swap3A_627 : i32 to index
        %swap3A_630 = arith.index_cast %swap3A_628 : i32 to index
        %swap3A_631 = arith.index_cast %scan3A_460 : i32 to index
        %swap3A_632 = arith.constant 96 : index
        %swap3A_633 = tpu.vector_load %arg7[%swap3A_629, %swap3A_630, %swap3A_631, %swap3A_632] {strides = array<i32>} : memref<2x2x200x128xf32, #tpu.memory_space<vmem>>, vector<1x1x1x16xf32>,
        %swap3A_634 = vector.shape_cast %swap3A_633 : vector<1x1x1x16xf32> to vector<16xf32>
        %swap3A_635 = vector.shape_cast %get3A_496 : vector<16xf32> to vector<1x1x1x16xf32>
        tpu.vector_store %arg7[%swap3A_629, %swap3A_630, %swap3A_631, %swap3A_632], %swap3A_635 {add = true, strides = array<i32>} : memref<2x2x200x128xf32, #tpu.memory_space<vmem>>, vector<1x1x1x16xf32>,
        %swap3A_636 = arith.constant 0 : i32
        %swap3A_637 = arith.constant 1 : i32
        %swap3A_638 = arith.index_cast %swap3A_636 : i32 to index
        %swap3A_639 = arith.index_cast %swap3A_637 : i32 to index
        %swap3A_640 = arith.index_cast %scan3A_460 : i32 to index
        %swap3A_641 = arith.constant 112 : index
        %swap3A_642 = tpu.vector_load %arg7[%swap3A_638, %swap3A_639, %swap3A_640, %swap3A_641] {strides = array<i32>} : memref<2x2x200x128xf32, #tpu.memory_space<vmem>>, vector<1x1x1x16xf32>,
        %swap3A_643 = vector.shape_cast %swap3A_642 : vector<1x1x1x16xf32> to vector<16xf32>
        %swap3A_644 = vector.shape_cast %get3A_501 : vector<16xf32> to vector<1x1x1x16xf32>
        tpu.vector_store %arg7[%swap3A_638, %swap3A_639, %swap3A_640, %swap3A_641], %swap3A_644 {add = true, strides = array<i32>} : memref<2x2x200x128xf32, #tpu.memory_space<vmem>>, vector<1x1x1x16xf32>,
        %scan3A_645 = arith.constant 1 : i32
        %scan3A_646 = arith.addi %scan3A_460, %scan3A_645 : i32
        %mul3A_647 = arith.constant 128 : i32
        %mul3A_648 = arith.muli %scan3A_646, %mul3A_647 : i32
        %add3A_649 = arith.constant 0 : i32
        %add3A_650 = arith.addi %mul3A_648, %add3A_649 : i32
        %get3A_651 = arith.index_cast %add3A_650 : i32 to index
        %get3A_652 = tpu.vector_load %arg8[%get3A_651] {strides = array<i32>} : memref<25600xf32, #tpu.memory_space<vmem>>, vector<16xf32>,
        %get3A_653 = vector.shape_cast %get3A_652 : vector<16xf32> to vector<16xf32>
        %add3A_654 = arith.constant 16 : i32
        %add3A_655 = arith.addi %mul3A_648, %add3A_654 : i32
        %get3A_656 = arith.index_cast %add3A_655 : i32 to index
        %get3A_657 = tpu.vector_load %arg8[%get3A_656] {strides = array<i32>} : memref<25600xf32, #tpu.memory_space<vmem>>, vector<16xf32>,
        %get3A_658 = vector.shape_cast %get3A_657 : vector<16xf32> to vector<16xf32>
        %add3A_659 = arith.constant 32 : i32
        %add3A_660 = arith.addi %mul3A_648, %add3A_659 : i32
        %get3A_661 = arith.index_cast %add3A_660 : i32 to index
        %get3A_662 = tpu.vector_load %arg8[%get3A_661] {strides = array<i32>} : memref<25600xf32, #tpu.memory_space<vmem>>, vector<16xf32>,
        %get3A_663 = vector.shape_cast %get3A_662 : vector<16xf32> to vector<16xf32>
        %add3A_664 = arith.constant 48 : i32
        %add3A_665 = arith.addi %mul3A_648, %add3A_664 : i32
        %get3A_666 = arith.index_cast %add3A_665 : i32 to index
        %get3A_667 = tpu.vector_load %arg8[%get3A_666] {strides = array<i32>} : memref<25600xf32, #tpu.memory_space<vmem>>, vector<16xf32>,
        %get3A_668 = vector.shape_cast %get3A_667 : vector<16xf32> to vector<16xf32>
        %add3A_669 = arith.constant 64 : i32
        %add3A_670 = arith.addi %mul3A_648, %add3A_669 : i32
        %get3A_671 = arith.index_cast %add3A_670 : i32 to index
        %get3A_672 = tpu.vector_load %arg8[%get3A_671] {strides = array<i32>} : memref<25600xf32, #tpu.memory_space<vmem>>, vector<16xf32>,
        %get3A_673 = vector.shape_cast %get3A_672 : vector<16xf32> to vector<16xf32>
        %add3A_674 = arith.constant 80 : i32
        %add3A_675 = arith.addi %mul3A_648, %add3A_674 : i32
        %get3A_676 = arith.index_cast %add3A_675 : i32 to index
        %get3A_677 = tpu.vector_load %arg8[%get3A_676] {strides = array<i32>} : memref<25600xf32, #tpu.memory_space<vmem>>, vector<16xf32>,
        %get3A_678 = vector.shape_cast %get3A_677 : vector<16xf32> to vector<16xf32>
        %add3A_679 = arith.constant 96 : i32
        %add3A_680 = arith.addi %mul3A_648, %add3A_679 : i32
        %get3A_681 = arith.index_cast %add3A_680 : i32 to index
        %get3A_682 = tpu.vector_load %arg8[%get3A_681] {strides = array<i32>} : memref<25600xf32, #tpu.memory_space<vmem>>, vector<16xf32>,
        %get3A_683 = vector.shape_cast %get3A_682 : vector<16xf32> to vector<16xf32>
        %add3A_684 = arith.constant 112 : i32
        %add3A_685 = arith.addi %mul3A_648, %add3A_684 : i32
        %get3A_686 = arith.index_cast %add3A_685 : i32 to index
        %get3A_687 = tpu.vector_load %arg8[%get3A_686] {strides = array<i32>} : memref<25600xf32, #tpu.memory_space<vmem>>, vector<16xf32>,
        %get3A_688 = vector.shape_cast %get3A_687 : vector<16xf32> to vector<16xf32>
        %swap3A_689 = arith.constant 0 : i32
        %swap3A_690 = arith.constant 0 : i32
        %swap3A_691 = arith.index_cast %swap3A_689 : i32 to index
        %swap3A_692 = arith.index_cast %swap3A_690 : i32 to index
        %swap3A_693 = arith.index_cast %scan3A_646 : i32 to index
        %swap3A_694 = arith.constant 0 : index
        %swap3A_695 = tpu.vector_load %arg7[%swap3A_691, %swap3A_692, %swap3A_693, %swap3A_694] {strides = array<i32>} : memref<2x2x200x128xf32, #tpu.memory_space<vmem>>, vector<1x1x1x16xf32>,
        %swap3A_696 = vector.shape_cast %swap3A_695 : vector<1x1x1x16xf32> to vector<16xf32>
        %swap3A_697 = vector.shape_cast %get3A_653 : vector<16xf32> to vector<1x1x1x16xf32>
        tpu.vector_store %arg7[%swap3A_691, %swap3A_692, %swap3A_693, %swap3A_694], %swap3A_697 {add = true, strides = array<i32>} : memref<2x2x200x128xf32, #tpu.memory_space<vmem>>, vector<1x1x1x16xf32>,
        %swap3A_698 = arith.constant 0 : i32
        %swap3A_699 = arith.constant 0 : i32
        %swap3A_700 = arith.index_cast %swap3A_698 : i32 to index
        %swap3A_701 = arith.index_cast %swap3A_699 : i32 to index
        %swap3A_702 = arith.index_cast %scan3A_646 : i32 to index
        %swap3A_703 = arith.constant 16 : index
        %swap3A_704 = tpu.vector_load %arg7[%swap3A_700, %swap3A_701, %swap3A_702, %swap3A_703] {strides = array<i32>} : memref<2x2x200x128xf32, #tpu.memory_space<vmem>>, vector<1x1x1x16xf32>,
        %swap3A_705 = vector.shape_cast %swap3A_704 : vector<1x1x1x16xf32> to vector<16xf32>
        %swap3A_706 = vector.shape_cast %get3A_658 : vector<16xf32> to vector<1x1x1x16xf32>
        tpu.vector_store %arg7[%swap3A_700, %swap3A_701, %swap3A_702, %swap3A_703], %swap3A_706 {add = true, strides = array<i32>} : memref<2x2x200x128xf32, #tpu.memory_space<vmem>>, vector<1x1x1x16xf32>,
        %swap3A_707 = arith.constant 0 : i32
        %swap3A_708 = arith.constant 0 : i32
        %swap3A_709 = arith.index_cast %swap3A_707 : i32 to index
        %swap3A_710 = arith.index_cast %swap3A_708 : i32 to index
        %swap3A_711 = arith.index_cast %scan3A_646 : i32 to index
        %swap3A_712 = arith.constant 32 : index
        %swap3A_713 = tpu.vector_load %arg7[%swap3A_709, %swap3A_710, %swap3A_711, %swap3A_712] {strides = array<i32>} : memref<2x2x200x128xf32, #tpu.memory_space<vmem>>, vector<1x1x1x16xf32>,
        %swap3A_714 = vector.shape_cast %swap3A_713 : vector<1x1x1x16xf32> to vector<16xf32>
        %swap3A_715 = vector.shape_cast %get3A_663 : vector<16xf32> to vector<1x1x1x16xf32>
        tpu.vector_store %arg7[%swap3A_709, %swap3A_710, %swap3A_711, %swap3A_712], %swap3A_715 {add = true, strides = array<i32>} : memref<2x2x200x128xf32, #tpu.memory_space<vmem>>, vector<1x1x1x16xf32>,
        %swap3A_716 = arith.constant 0 : i32
        %swap3A_717 = arith.constant 0 : i32
        %swap3A_718 = arith.index_cast %swap3A_716 : i32 to index
        %swap3A_719 = arith.index_cast %swap3A_717 : i32 to index
        %swap3A_720 = arith.index_cast %scan3A_646 : i32 to index
        %swap3A_721 = arith.constant 48 : index
        %swap3A_722 = tpu.vector_load %arg7[%swap3A_718, %swap3A_719, %swap3A_720, %swap3A_721] {strides = array<i32>} : memref<2x2x200x128xf32, #tpu.memory_space<vmem>>, vector<1x1x1x16xf32>,
        %swap3A_723 = vector.shape_cast %swap3A_722 : vector<1x1x1x16xf32> to vector<16xf32>
        %swap3A_724 = vector.shape_cast %get3A_668 : vector<16xf32> to vector<1x1x1x16xf32>
        tpu.vector_store %arg7[%swap3A_718, %swap3A_719, %swap3A_720, %swap3A_721], %swap3A_724 {add = true, strides = array<i32>} : memref<2x2x200x128xf32, #tpu.memory_space<vmem>>, vector<1x1x1x16xf32>,
        %swap3A_725 = arith.constant 0 : i32
        %swap3A_726 = arith.constant 0 : i32
        %swap3A_727 = arith.index_cast %swap3A_725 : i32 to index
        %swap3A_728 = arith.index_cast %swap3A_726 : i32 to index
        %swap3A_729 = arith.index_cast %scan3A_646 : i32 to index
        %swap3A_730 = arith.constant 64 : index
        %swap3A_731 = tpu.vector_load %arg7[%swap3A_727, %swap3A_728, %swap3A_729, %swap3A_730] {strides = array<i32>} : memref<2x2x200x128xf32, #tpu.memory_space<vmem>>, vector<1x1x1x16xf32>,
        %swap3A_732 = vector.shape_cast %swap3A_731 : vector<1x1x1x16xf32> to vector<16xf32>
        %swap3A_733 = vector.shape_cast %get3A_673 : vector<16xf32> to vector<1x1x1x16xf32>
        tpu.vector_store %arg7[%swap3A_727, %swap3A_728, %swap3A_729, %swap3A_730], %swap3A_733 {add = true, strides = array<i32>} : memref<2x2x200x128xf32, #tpu.memory_space<vmem>>, vector<1x1x1x16xf32>,
        %swap3A_734 = arith.constant 0 : i32
        %swap3A_735 = arith.constant 0 : i32
        %swap3A_736 = arith.index_cast %swap3A_734 : i32 to index
        %swap3A_737 = arith.index_cast %swap3A_735 : i32 to index
        %swap3A_738 = arith.index_cast %scan3A_646 : i32 to index
        %swap3A_739 = arith.constant 80 : index
        %swap3A_740 = tpu.vector_load %arg7[%swap3A_736, %swap3A_737, %swap3A_738, %swap3A_739] {strides = array<i32>} : memref<2x2x200x128xf32, #tpu.memory_space<vmem>>, vector<1x1x1x16xf32>,
        %swap3A_741 = vector.shape_cast %swap3A_740 : vector<1x1x1x16xf32> to vector<16xf32>
        %swap3A_742 = vector.shape_cast %get3A_678 : vector<16xf32> to vector<1x1x1x16xf32>
        tpu.vector_store %arg7[%swap3A_736, %swap3A_737, %swap3A_738, %swap3A_739], %swap3A_742 {add = true, strides = array<i32>} : memref<2x2x200x128xf32, #tpu.memory_space<vmem>>, vector<1x1x1x16xf32>,
        %swap3A_743 = arith.constant 0 : i32
        %swap3A_744 = arith.constant 0 : i32
        %swap3A_745 = arith.index_cast %swap3A_743 : i32 to index
        %swap3A_746 = arith.index_cast %swap3A_744 : i32 to index
        %swap3A_747 = arith.index_cast %scan3A_646 : i32 to index
        %swap3A_748 = arith.constant 96 : index
        %swap3A_749 = tpu.vector_load %arg7[%swap3A_745, %swap3A_746, %swap3A_747, %swap3A_748] {strides = array<i32>} : memref<2x2x200x128xf32, #tpu.memory_space<vmem>>, vector<1x1x1x16xf32>,
        %swap3A_750 = vector.shape_cast %swap3A_749 : vector<1x1x1x16xf32> to vector<16xf32>
        %swap3A_751 = vector.shape_cast %get3A_683 : vector<16xf32> to vector<1x1x1x16xf32>
        tpu.vector_store %arg7[%swap3A_745, %swap3A_746, %swap3A_747, %swap3A_748], %swap3A_751 {add = true, strides = array<i32>} : memref<2x2x200x128xf32, #tpu.memory_space<vmem>>, vector<1x1x1x16xf32>,
        %swap3A_752 = arith.constant 0 : i32
        %swap3A_753 = arith.constant 0 : i32
        %swap3A_754 = arith.index_cast %swap3A_752 : i32 to index
        %swap3A_755 = arith.index_cast %swap3A_753 : i32 to index
        %swap3A_756 = arith.index_cast %scan3A_646 : i32 to index
        %swap3A_757 = arith.constant 112 : index
        %swap3A_758 = tpu.vector_load %arg7[%swap3A_754, %swap3A_755, %swap3A_756, %swap3A_757] {strides = array<i32>} : memref<2x2x200x128xf32, #tpu.memory_space<vmem>>, vector<1x1x1x16xf32>,
        %swap3A_759 = vector.shape_cast %swap3A_758 : vector<1x1x1x16xf32> to vector<16xf32>
        %swap3A_760 = vector.shape_cast %get3A_688 : vector<16xf32> to vector<1x1x1x16xf32>
        tpu.vector_store %arg7[%swap3A_754, %swap3A_755, %swap3A_756, %swap3A_757], %swap3A_760 {add = true, strides = array<i32>} : memref<2x2x200x128xf32, #tpu.memory_space<vmem>>, vector<1x1x1x16xf32>,
        %swap3A_761 = arith.constant 0 : i32
        %swap3A_762 = arith.constant 1 : i32
        %swap3A_763 = arith.index_cast %swap3A_761 : i32 to index
        %swap3A_764 = arith.index_cast %swap3A_762 : i32 to index
        %swap3A_765 = arith.index_cast %scan3A_646 : i32 to index
        %swap3A_766 = arith.constant 0 : index
        %swap3A_767 = tpu.vector_load %arg7[%swap3A_763, %swap3A_764, %swap3A_765, %swap3A_766] {strides = array<i32>} : memref<2x2x200x128xf32, #tpu.memory_space<vmem>>, vector<1x1x1x16xf32>,
        %swap3A_768 = vector.shape_cast %swap3A_767 : vector<1x1x1x16xf32> to vector<16xf32>
        %swap3A_769 = vector.shape_cast %get3A_653 : vector<16xf32> to vector<1x1x1x16xf32>
        tpu.vector_store %arg7[%swap3A_763, %swap3A_764, %swap3A_765, %swap3A_766], %swap3A_769 {add = true, strides = array<i32>} : memref<2x2x200x128xf32, #tpu.memory_space<vmem>>, vector<1x1x1x16xf32>,
        %swap3A_770 = arith.constant 0 : i32
        %swap3A_771 = arith.constant 1 : i32
        %swap3A_772 = arith.index_cast %swap3A_770 : i32 to index
        %swap3A_773 = arith.index_cast %swap3A_771 : i32 to index
        %swap3A_774 = arith.index_cast %scan3A_646 : i32 to index
        %swap3A_775 = arith.constant 16 : index
        %swap3A_776 = tpu.vector_load %arg7[%swap3A_772, %swap3A_773, %swap3A_774, %swap3A_775] {strides = array<i32>} : memref<2x2x200x128xf32, #tpu.memory_space<vmem>>, vector<1x1x1x16xf32>,
        %swap3A_777 = vector.shape_cast %swap3A_776 : vector<1x1x1x16xf32> to vector<16xf32>
        %swap3A_778 = vector.shape_cast %get3A_658 : vector<16xf32> to vector<1x1x1x16xf32>
        tpu.vector_store %arg7[%swap3A_772, %swap3A_773, %swap3A_774, %swap3A_775], %swap3A_778 {add = true, strides = array<i32>} : memref<2x2x200x128xf32, #tpu.memory_space<vmem>>, vector<1x1x1x16xf32>,
        %swap3A_779 = arith.constant 0 : i32
        %swap3A_780 = arith.constant 1 : i32
        %swap3A_781 = arith.index_cast %swap3A_779 : i32 to index
        %swap3A_782 = arith.index_cast %swap3A_780 : i32 to index
        %swap3A_783 = arith.index_cast %scan3A_646 : i32 to index
        %swap3A_784 = arith.constant 32 : index
        %swap3A_785 = tpu.vector_load %arg7[%swap3A_781, %swap3A_782, %swap3A_783, %swap3A_784] {strides = array<i32>} : memref<2x2x200x128xf32, #tpu.memory_space<vmem>>, vector<1x1x1x16xf32>,
        %swap3A_786 = vector.shape_cast %swap3A_785 : vector<1x1x1x16xf32> to vector<16xf32>
        %swap3A_787 = vector.shape_cast %get3A_663 : vector<16xf32> to vector<1x1x1x16xf32>
        tpu.vector_store %arg7[%swap3A_781, %swap3A_782, %swap3A_783, %swap3A_784], %swap3A_787 {add = true, strides = array<i32>} : memref<2x2x200x128xf32, #tpu.memory_space<vmem>>, vector<1x1x1x16xf32>,
        %swap3A_788 = arith.constant 0 : i32
        %swap3A_789 = arith.constant 1 : i32
        %swap3A_790 = arith.index_cast %swap3A_788 : i32 to index
        %swap3A_791 = arith.index_cast %swap3A_789 : i32 to index
        %swap3A_792 = arith.index_cast %scan3A_646 : i32 to index
        %swap3A_793 = arith.constant 48 : index
        %swap3A_794 = tpu.vector_load %arg7[%swap3A_790, %swap3A_791, %swap3A_792, %swap3A_793] {strides = array<i32>} : memref<2x2x200x128xf32, #tpu.memory_space<vmem>>, vector<1x1x1x16xf32>,
        %swap3A_795 = vector.shape_cast %swap3A_794 : vector<1x1x1x16xf32> to vector<16xf32>
        %swap3A_796 = vector.shape_cast %get3A_668 : vector<16xf32> to vector<1x1x1x16xf32>
        tpu.vector_store %arg7[%swap3A_790, %swap3A_791, %swap3A_792, %swap3A_793], %swap3A_796 {add = true, strides = array<i32>} : memref<2x2x200x128xf32, #tpu.memory_space<vmem>>, vector<1x1x1x16xf32>,
        %swap3A_797 = arith.constant 0 : i32
        %swap3A_798 = arith.constant 1 : i32
        %swap3A_799 = arith.index_cast %swap3A_797 : i32 to index
        %swap3A_800 = arith.index_cast %swap3A_798 : i32 to index
        %swap3A_801 = arith.index_cast %scan3A_646 : i32 to index
        %swap3A_802 = arith.constant 64 : index
        %swap3A_803 = tpu.vector_load %arg7[%swap3A_799, %swap3A_800, %swap3A_801, %swap3A_802] {strides = array<i32>} : memref<2x2x200x128xf32, #tpu.memory_space<vmem>>, vector<1x1x1x16xf32>,
        %swap3A_804 = vector.shape_cast %swap3A_803 : vector<1x1x1x16xf32> to vector<16xf32>
        %swap3A_805 = vector.shape_cast %get3A_673 : vector<16xf32> to vector<1x1x1x16xf32>
        tpu.vector_store %arg7[%swap3A_799, %swap3A_800, %swap3A_801, %swap3A_802], %swap3A_805 {add = true, strides = array<i32>} : memref<2x2x200x128xf32, #tpu.memory_space<vmem>>, vector<1x1x1x16xf32>,
        %swap3A_806 = arith.constant 0 : i32
        %swap3A_807 = arith.constant 1 : i32
        %swap3A_808 = arith.index_cast %swap3A_806 : i32 to index
        %swap3A_809 = arith.index_cast %swap3A_807 : i32 to index
        %swap3A_810 = arith.index_cast %scan3A_646 : i32 to index
        %swap3A_811 = arith.constant 80 : index
        %swap3A_812 = tpu.vector_load %arg7[%swap3A_808, %swap3A_809, %swap3A_810, %swap3A_811] {strides = array<i32>} : memref<2x2x200x128xf32, #tpu.memory_space<vmem>>, vector<1x1x1x16xf32>,
        %swap3A_813 = vector.shape_cast %swap3A_812 : vector<1x1x1x16xf32> to vector<16xf32>
        %swap3A_814 = vector.shape_cast %get3A_678 : vector<16xf32> to vector<1x1x1x16xf32>
        tpu.vector_store %arg7[%swap3A_808, %swap3A_809, %swap3A_810, %swap3A_811], %swap3A_814 {add = true, strides = array<i32>} : memref<2x2x200x128xf32, #tpu.memory_space<vmem>>, vector<1x1x1x16xf32>,
        %swap3A_815 = arith.constant 0 : i32
        %swap3A_816 = arith.constant 1 : i32
        %swap3A_817 = arith.index_cast %swap3A_815 : i32 to index
        %swap3A_818 = arith.index_cast %swap3A_816 : i32 to index
        %swap3A_819 = arith.index_cast %scan3A_646 : i32 to index
        %swap3A_820 = arith.constant 96 : index
        %swap3A_821 = tpu.vector_load %arg7[%swap3A_817, %swap3A_818, %swap3A_819, %swap3A_820] {strides = array<i32>} : memref<2x2x200x128xf32, #tpu.memory_space<vmem>>, vector<1x1x1x16xf32>,
        %swap3A_822 = vector.shape_cast %swap3A_821 : vector<1x1x1x16xf32> to vector<16xf32>
        %swap3A_823 = vector.shape_cast %get3A_683 : vector<16xf32> to vector<1x1x1x16xf32>
        tpu.vector_store %arg7[%swap3A_817, %swap3A_818, %swap3A_819, %swap3A_820], %swap3A_823 {add = true, strides = array<i32>} : memref<2x2x200x128xf32, #tpu.memory_space<vmem>>, vector<1x1x1x16xf32>,
        %swap3A_824 = arith.constant 0 : i32
        %swap3A_825 = arith.constant 1 : i32
        %swap3A_826 = arith.index_cast %swap3A_824 : i32 to index
        %swap3A_827 = arith.index_cast %swap3A_825 : i32 to index
        %swap3A_828 = arith.index_cast %scan3A_646 : i32 to index
        %swap3A_829 = arith.constant 112 : index
        %swap3A_830 = tpu.vector_load %arg7[%swap3A_826, %swap3A_827, %swap3A_828, %swap3A_829] {strides = array<i32>} : memref<2x2x200x128xf32, #tpu.memory_space<vmem>>, vector<1x1x1x16xf32>,
        %swap3A_831 = vector.shape_cast %swap3A_830 : vector<1x1x1x16xf32> to vector<16xf32>
        %swap3A_832 = vector.shape_cast %get3A_688 : vector<16xf32> to vector<1x1x1x16xf32>
        tpu.vector_store %arg7[%swap3A_826, %swap3A_827, %swap3A_828, %swap3A_829], %swap3A_832 {add = true, strides = array<i32>} : memref<2x2x200x128xf32, #tpu.memory_space<vmem>>, vector<1x1x1x16xf32>,
      }
      %scan3A_298 = arith.constant 200 : i32
      %add3A_299 = arith.addi %mul3A_2, %add3A_195 : i32
      %dma_start3A_300 = arith.constant 0 : i32
      %dma_start3A_301 = arith.constant 0 : i32
      %dma_start3A_302 = arith.constant 0 : i32
      %dma_start3A_303 = arith.constant 0 : i32
      %dma_start3A_304 = arith.constant 0 : i32
      %dma_start3A_305 = tpu.memref_slice %arg7[%dma_start3A_300, %dma_start3A_302, %dma_start3A_303, %dma_start3A_304] : memref<2x2x200x128xf32, #tpu.memory_space<vmem>> -> memref<1x2x200x128xf32, #tpu.memory_space<vmem>>
      %dma_start3A_306 = tpu.memref_squeeze %dma_start3A_305 : memref<1x2x200x128xf32, #tpu.memory_space<vmem>> -> memref<2x200x128xf32, #tpu.memory_space<vmem>>
      %dma_start3A_307 = arith.constant 0 : i32
      %dma_start3A_308 = arith.constant 0 : i32
      %dma_start3A_309 = arith.constant 0 : i32
      %dma_start3A_310 = tpu.memref_slice %arg5[%add3A_299, %dma_start3A_307, %dma_start3A_308, %dma_start3A_309] : memref<2048x2x200x128xf32, #tpu.memory_space<hbm>> -> memref<1x2x200x128xf32, #tpu.memory_space<hbm>>
      %dma_start3A_311 = tpu.memref_squeeze %dma_start3A_310 : memref<1x2x200x128xf32, #tpu.memory_space<hbm>> -> memref<2x200x128xf32, #tpu.memory_space<hbm>>
      %dma_start3A_312 = tpu.memref_slice %arg11[%dma_start3A_301] : memref<2x!tpu.dma_semaphore, #tpu.memory_space<semaphore_mem>> -> memref<1x!tpu.dma_semaphore, #tpu.memory_space<semaphore_mem>>
      %dma_start3A_313 = tpu.memref_squeeze %dma_start3A_312 : memref<1x!tpu.dma_semaphore, #tpu.memory_space<semaphore_mem>> -> memref<!tpu.dma_semaphore, #tpu.memory_space<semaphore_mem>>
      %dma_start3A_314 = arith.constant 0 : i32
      %dma_start3A_315 = arith.constant 0 : i32
      %dma_start3A_316 = arith.constant 0 : i32
      %dma_start3A_317 = tpu.memref_slice %arg5[%add3A_299, %dma_start3A_314, %dma_start3A_315, %dma_start3A_316] : memref<2048x2x200x128xf32, #tpu.memory_space<hbm>> -> memref<1x2x200x128xf32, #tpu.memory_space<hbm>>
      %dma_start3A_318 = tpu.memref_squeeze %dma_start3A_317 : memref<1x2x200x128xf32, #tpu.memory_space<hbm>> -> memref<2x200x128xf32, #tpu.memory_space<hbm>>
      %dma_start3A_319 = arith.constant 0 : i32
      %dma_start3A_320 = arith.constant 0 : i32
      %dma_start3A_321 = arith.constant 0 : i32
      %dma_start3A_322 = tpu.memref_slice %arg7[%dma_start3A_300, %dma_start3A_319, %dma_start3A_320, %dma_start3A_321] : memref<2x2x200x128xf32, #tpu.memory_space<vmem>> -> memref<1x2x200x128xf32, #tpu.memory_space<vmem>>
      %dma_start3A_323 = tpu.memref_squeeze %dma_start3A_322 : memref<1x2x200x128xf32, #tpu.memory_space<vmem>> -> memref<2x200x128xf32, #tpu.memory_space<vmem>>
      tpu.enqueue_dma source(%dma_start3A_323 : memref<2x200x128xf32, #tpu.memory_space<vmem>>) target(%dma_start3A_318 : memref<2x200x128xf32, #tpu.memory_space<hbm>>) target_semaphore(%dma_start3A_313 : memref<!tpu.dma_semaphore, #tpu.memory_space<semaphore_mem>>)
      %mul3A_324 = arith.constant 2 : i32
      %mul3A_325 = arith.muli %mul3A_324, %scan3A_191 : i32
      %add3A_326 = arith.constant 1 : i32
      %add3A_327 = arith.addi %mul3A_325, %add3A_326 : i32
      %ge3A_328 = arith.constant 1 : i32
      %ge3A_329 = arith.cmpi sge, %add3A_327, %ge3A_328 : i32
      %convert_element_type3A_330 = arith.extui %ge3A_329 : i1 to i32
      %cond3A_331 = arith.constant 0 : i32
      %cond3A_332 = arith.cmpi ne, %convert_element_type3A_330, %cond3A_331 : i32
      scf.if %cond3A_332 {
        %dma_wait3A_460 = arith.constant 0 : i32
        %dma_wait3A_461 = arith.constant 0 : i32
        %dma_wait3A_462 = arith.constant 0 : i32
        %dma_wait3A_463 = arith.constant 0 : i32
        %dma_wait3A_464 = arith.constant 0 : i32
        %dma_wait3A_465 = tpu.memref_slice %arg7[%dma_wait3A_460, %dma_wait3A_462, %dma_wait3A_463, %dma_wait3A_464] : memref<2x2x200x128xf32, #tpu.memory_space<vmem>> -> memref<1x2x200x128xf32, #tpu.memory_space<vmem>>
        %dma_wait3A_466 = tpu.memref_squeeze %dma_wait3A_465 : memref<1x2x200x128xf32, #tpu.memory_space<vmem>> -> memref<2x200x128xf32, #tpu.memory_space<vmem>>
        %dma_wait3A_467 = arith.constant 0 : i32
        %dma_wait3A_468 = arith.constant 0 : i32
        %dma_wait3A_469 = arith.constant 0 : i32
        %dma_wait3A_470 = tpu.memref_slice %arg5[%mul3A_2, %dma_wait3A_467, %dma_wait3A_468, %dma_wait3A_469] : memref<2048x2x200x128xf32, #tpu.memory_space<hbm>> -> memref<1x2x200x128xf32, #tpu.memory_space<hbm>>
        %dma_wait3A_471 = tpu.memref_squeeze %dma_wait3A_470 : memref<1x2x200x128xf32, #tpu.memory_space<hbm>> -> memref<2x200x128xf32, #tpu.memory_space<hbm>>
        %dma_wait3A_472 = tpu.memref_slice %arg11[%dma_wait3A_461] : memref<2x!tpu.dma_semaphore, #tpu.memory_space<semaphore_mem>> -> memref<1x!tpu.dma_semaphore, #tpu.memory_space<semaphore_mem>>
        %dma_wait3A_473 = tpu.memref_squeeze %dma_wait3A_472 : memref<1x!tpu.dma_semaphore, #tpu.memory_space<semaphore_mem>> -> memref<!tpu.dma_semaphore, #tpu.memory_space<semaphore_mem>>
        %dma_wait3A_474 = arith.constant 0 : i32
        %dma_wait3A_475 = arith.constant 0 : i32
        %dma_wait3A_476 = arith.constant 0 : i32
        %dma_wait3A_477 = tpu.memref_slice %arg5[%mul3A_2, %dma_wait3A_474, %dma_wait3A_475, %dma_wait3A_476] : memref<2048x2x200x128xf32, #tpu.memory_space<hbm>> -> memref<1x2x200x128xf32, #tpu.memory_space<hbm>>
        %dma_wait3A_478 = tpu.memref_squeeze %dma_wait3A_477 : memref<1x2x200x128xf32, #tpu.memory_space<hbm>> -> memref<2x200x128xf32, #tpu.memory_space<hbm>>
        %dma_wait3A_479 = arith.constant 0 : i32
        %dma_wait3A_480 = arith.constant 0 : i32
        %dma_wait3A_481 = arith.constant 0 : i32
        %dma_wait3A_482 = tpu.memref_slice %arg7[%dma_wait3A_460, %dma_wait3A_479, %dma_wait3A_480, %dma_wait3A_481] : memref<2x2x200x128xf32, #tpu.memory_space<vmem>> -> memref<1x2x200x128xf32, #tpu.memory_space<vmem>>
        %dma_wait3A_483 = tpu.memref_squeeze %dma_wait3A_482 : memref<1x2x200x128xf32, #tpu.memory_space<vmem>> -> memref<2x200x128xf32, #tpu.memory_space<vmem>>
        tpu.wait_dma2 semaphore(%dma_wait3A_473 : memref<!tpu.dma_semaphore, #tpu.memory_space<semaphore_mem>>) src(%dma_wait3A_483 : memref<2x200x128xf32, #tpu.memory_space<vmem>>) dst(%dma_wait3A_478 : memref<2x200x128xf32, #tpu.memory_space<hbm>>)
      } else {
      }
      %lt3A_333 = arith.constant 63 : i32
      %lt3A_334 = arith.cmpi slt, %add3A_327, %lt3A_333 : i32
      %convert_element_type3A_335 = arith.extui %lt3A_334 : i1 to i32
      %cond3A_336 = arith.constant 0 : i32
      %cond3A_337 = arith.cmpi ne, %convert_element_type3A_335, %cond3A_336 : i32
      scf.if %cond3A_337 {
        %dma_wait3A_460 = arith.constant 0 : i32
        %dma_wait3A_461 = arith.constant 0 : i32
        %dma_wait3A_462 = arith.constant 0 : i32
        %dma_wait3A_463 = arith.constant 0 : i32
        %dma_wait3A_464 = tpu.memref_slice %arg6[%dma_wait3A_460, %dma_wait3A_462, %dma_wait3A_463] : memref<2x4x100xi32, #tpu.memory_space<vmem>> -> memref<1x4x100xi32, #tpu.memory_space<vmem>>
        %dma_wait3A_465 = tpu.memref_squeeze %dma_wait3A_464 : memref<1x4x100xi32, #tpu.memory_space<vmem>> -> memref<4x100xi32, #tpu.memory_space<vmem>>
        %dma_wait3A_466 = arith.constant 0 : i32
        %dma_wait3A_467 = tpu.memref_slice %arg2[%mul3A_4, %dma_wait3A_466] : memref<8192x100xi32, #tpu.memory_space<hbm>> -> memref<4x100xi32, #tpu.memory_space<hbm>>
        %dma_wait3A_468 = tpu.memref_slice %arg9[%dma_wait3A_461] : memref<2x!tpu.dma_semaphore, #tpu.memory_space<semaphore_mem>> -> memref<1x!tpu.dma_semaphore, #tpu.memory_space<semaphore_mem>>
        %dma_wait3A_469 = tpu.memref_squeeze %dma_wait3A_468 : memref<1x!tpu.dma_semaphore, #tpu.memory_space<semaphore_mem>> -> memref<!tpu.dma_semaphore, #tpu.memory_space<semaphore_mem>>
        %dma_wait3A_470 = arith.constant 0 : i32
        %dma_wait3A_471 = arith.constant 0 : i32
        %dma_wait3A_472 = tpu.memref_slice %arg6[%dma_wait3A_460, %dma_wait3A_470, %dma_wait3A_471] : memref<2x4x100xi32, #tpu.memory_space<vmem>> -> memref<1x4x100xi32, #tpu.memory_space<vmem>>
        %dma_wait3A_473 = tpu.memref_squeeze %dma_wait3A_472 : memref<1x4x100xi32, #tpu.memory_space<vmem>> -> memref<4x100xi32, #tpu.memory_space<vmem>>
        %dma_wait3A_474 = arith.constant 0 : i32
        %dma_wait3A_475 = tpu.memref_slice %arg2[%mul3A_4, %dma_wait3A_474] : memref<8192x100xi32, #tpu.memory_space<hbm>> -> memref<4x100xi32, #tpu.memory_space<hbm>>
        tpu.wait_dma2 semaphore(%dma_wait3A_469 : memref<!tpu.dma_semaphore, #tpu.memory_space<semaphore_mem>>) src(%dma_wait3A_475 : memref<4x100xi32, #tpu.memory_space<hbm>>) dst(%dma_wait3A_473 : memref<4x100xi32, #tpu.memory_space<vmem>>)
        %dma_start3A_476 = arith.constant 0 : i32
        %dma_start3A_477 = arith.constant 0 : i32
        %dma_start3A_478 = arith.constant 0 : i32
        %dma_start3A_479 = arith.constant 0 : i32
        %dma_start3A_480 = arith.constant 0 : i32
        %dma_start3A_481 = arith.constant 0 : i32
        %dma_start3A_482 = arith.constant 0 : i32
        %dma_start3A_483 = tpu.memref_slice %arg7[%dma_start3A_478, %dma_start3A_479, %dma_start3A_481, %dma_start3A_482] : memref<2x2x200x128xf32, #tpu.memory_space<vmem>> -> memref<1x1x100x128xf32, #tpu.memory_space<vmem>>
        %dma_start3A_484 = tpu.memref_squeeze %dma_start3A_483 : memref<1x1x100x128xf32, #tpu.memory_space<vmem>> -> memref<100x128xf32, #tpu.memory_space<vmem>>
        %dma_start3A_485 = arith.constant 0 : i32
        %dma_start3A_486 = tpu.memref_slice %arg6[%dma_start3A_476, %dma_start3A_477, %dma_start3A_485] : memref<2x4x100xi32, #tpu.memory_space<vmem>> -> memref<1x1x100xi32, #tpu.memory_space<vmem>>
        %dma_start3A_487 = tpu.memref_squeeze %dma_start3A_486 : memref<1x1x100xi32, #tpu.memory_space<vmem>> -> memref<100xi32, #tpu.memory_space<vmem>>
        %dma_start3A_488 = arith.constant 0 : i32
        %dma_start3A_489 = arith.constant 0 : i32
        %dma_start3A_490 = tpu.memref_slice %arg3[%dma_start3A_488, %dma_start3A_489] : memref<100000x128xf32, #tpu.memory_space<hbm>> -> memref<100000x128xf32, #tpu.memory_space<hbm>>
        %dma_start3A_491 = tpu.memref_slice %arg10[%dma_start3A_480] : memref<2x!tpu.dma_semaphore, #tpu.memory_space<semaphore_mem>> -> memref<1x!tpu.dma_semaphore, #tpu.memory_space<semaphore_mem>>
        %dma_start3A_492 = tpu.memref_squeeze %dma_start3A_491 : memref<1x!tpu.dma_semaphore, #tpu.memory_space<semaphore_mem>> -> memref<!tpu.dma_semaphore, #tpu.memory_space<semaphore_mem>>
        tpu.enqueue_indirect_dma source(%dma_start3A_490 : memref<100000x128xf32, #tpu.memory_space<hbm>>) target(%dma_start3A_484 : memref<100x128xf32, #tpu.memory_space<vmem>>) offsets(%dma_start3A_487 : memref<100xi32, #tpu.memory_space<vmem>>) semaphore(%dma_start3A_492 : memref<!tpu.dma_semaphore, #tpu.memory_space<semaphore_mem>>)
        %dma_start3A_493 = arith.constant 0 : i32
        %dma_start3A_494 = arith.constant 1 : i32
        %dma_start3A_495 = arith.constant 0 : i32
        %dma_start3A_496 = arith.constant 0 : i32
        %dma_start3A_497 = arith.constant 0 : i32
        %dma_start3A_498 = arith.constant 100 : i32
        %dma_start3A_499 = arith.constant 0 : i32
        %dma_start3A_500 = tpu.memref_slice %arg7[%dma_start3A_495, %dma_start3A_496, %dma_start3A_498, %dma_start3A_499] : memref<2x2x200x128xf32, #tpu.memory_space<vmem>> -> memref<1x1x100x128xf32, #tpu.memory_space<vmem>>
        %dma_start3A_501 = tpu.memref_squeeze %dma_start3A_500 : memref<1x1x100x128xf32, #tpu.memory_space<vmem>> -> memref<100x128xf32, #tpu.memory_space<vmem>>
        %dma_start3A_502 = arith.constant 0 : i32
        %dma_start3A_503 = tpu.memref_slice %arg6[%dma_start3A_493, %dma_start3A_494, %dma_start3A_502] : memref<2x4x100xi32, #tpu.memory_space<vmem>> -> memref<1x1x100xi32, #tpu.memory_space<vmem>>
        %dma_start3A_504 = tpu.memref_squeeze %dma_start3A_503 : memref<1x1x100xi32, #tpu.memory_space<vmem>> -> memref<100xi32, #tpu.memory_space<vmem>>
        %dma_start3A_505 = arith.constant 0 : i32
        %dma_start3A_506 = arith.constant 0 : i32
        %dma_start3A_507 = tpu.memref_slice %arg3[%dma_start3A_505, %dma_start3A_506] : memref<100000x128xf32, #tpu.memory_space<hbm>> -> memref<100000x128xf32, #tpu.memory_space<hbm>>
        %dma_start3A_508 = tpu.memref_slice %arg10[%dma_start3A_497] : memref<2x!tpu.dma_semaphore, #tpu.memory_space<semaphore_mem>> -> memref<1x!tpu.dma_semaphore, #tpu.memory_space<semaphore_mem>>
        %dma_start3A_509 = tpu.memref_squeeze %dma_start3A_508 : memref<1x!tpu.dma_semaphore, #tpu.memory_space<semaphore_mem>> -> memref<!tpu.dma_semaphore, #tpu.memory_space<semaphore_mem>>
        tpu.enqueue_indirect_dma source(%dma_start3A_507 : memref<100000x128xf32, #tpu.memory_space<hbm>>) target(%dma_start3A_501 : memref<100x128xf32, #tpu.memory_space<vmem>>) offsets(%dma_start3A_504 : memref<100xi32, #tpu.memory_space<vmem>>) semaphore(%dma_start3A_509 : memref<!tpu.dma_semaphore, #tpu.memory_space<semaphore_mem>>)
        %dma_start3A_510 = arith.constant 0 : i32
        %dma_start3A_511 = arith.constant 2 : i32
        %dma_start3A_512 = arith.constant 0 : i32
        %dma_start3A_513 = arith.constant 1 : i32
        %dma_start3A_514 = arith.constant 0 : i32
        %dma_start3A_515 = arith.constant 0 : i32
        %dma_start3A_516 = arith.constant 0 : i32
        %dma_start3A_517 = tpu.memref_slice %arg7[%dma_start3A_512, %dma_start3A_513, %dma_start3A_515, %dma_start3A_516] : memref<2x2x200x128xf32, #tpu.memory_space<vmem>> -> memref<1x1x100x128xf32, #tpu.memory_space<vmem>>
        %dma_start3A_518 = tpu.memref_squeeze %dma_start3A_517 : memref<1x1x100x128xf32, #tpu.memory_space<vmem>> -> memref<100x128xf32, #tpu.memory_space<vmem>>
        %dma_start3A_519 = arith.constant 0 : i32
        %dma_start3A_520 = tpu.memref_slice %arg6[%dma_start3A_510, %dma_start3A_511, %dma_start3A_519] : memref<2x4x100xi32, #tpu.memory_space<vmem>> -> memref<1x1x100xi32, #tpu.memory_space<vmem>>
        %dma_start3A_521 = tpu.memref_squeeze %dma_start3A_520 : memref<1x1x100xi32, #tpu.memory_space<vmem>> -> memref<100xi32, #tpu.memory_space<vmem>>
        %dma_start3A_522 = arith.constant 0 : i32
        %dma_start3A_523 = arith.constant 0 : i32
        %dma_start3A_524 = tpu.memref_slice %arg3[%dma_start3A_522, %dma_start3A_523] : memref<100000x128xf32, #tpu.memory_space<hbm>> -> memref<100000x128xf32, #tpu.memory_space<hbm>>
        %dma_start3A_525 = tpu.memref_slice %arg10[%dma_start3A_514] : memref<2x!tpu.dma_semaphore, #tpu.memory_space<semaphore_mem>> -> memref<1x!tpu.dma_semaphore, #tpu.memory_space<semaphore_mem>>
        %dma_start3A_526 = tpu.memref_squeeze %dma_start3A_525 : memref<1x!tpu.dma_semaphore, #tpu.memory_space<semaphore_mem>> -> memref<!tpu.dma_semaphore, #tpu.memory_space<semaphore_mem>>
        tpu.enqueue_indirect_dma source(%dma_start3A_524 : memref<100000x128xf32, #tpu.memory_space<hbm>>) target(%dma_start3A_518 : memref<100x128xf32, #tpu.memory_space<vmem>>) offsets(%dma_start3A_521 : memref<100xi32, #tpu.memory_space<vmem>>) semaphore(%dma_start3A_526 : memref<!tpu.dma_semaphore, #tpu.memory_space<semaphore_mem>>)
        %dma_start3A_527 = arith.constant 0 : i32
        %dma_start3A_528 = arith.constant 3 : i32
        %dma_start3A_529 = arith.constant 0 : i32
        %dma_start3A_530 = arith.constant 1 : i32
        %dma_start3A_531 = arith.constant 0 : i32
        %dma_start3A_532 = arith.constant 100 : i32
        %dma_start3A_533 = arith.constant 0 : i32
        %dma_start3A_534 = tpu.memref_slice %arg7[%dma_start3A_529, %dma_start3A_530, %dma_start3A_532, %dma_start3A_533] : memref<2x2x200x128xf32, #tpu.memory_space<vmem>> -> memref<1x1x100x128xf32, #tpu.memory_space<vmem>>
        %dma_start3A_535 = tpu.memref_squeeze %dma_start3A_534 : memref<1x1x100x128xf32, #tpu.memory_space<vmem>> -> memref<100x128xf32, #tpu.memory_space<vmem>>
        %dma_start3A_536 = arith.constant 0 : i32
        %dma_start3A_537 = tpu.memref_slice %arg6[%dma_start3A_527, %dma_start3A_528, %dma_start3A_536] : memref<2x4x100xi32, #tpu.memory_space<vmem>> -> memref<1x1x100xi32, #tpu.memory_space<vmem>>
        %dma_start3A_538 = tpu.memref_squeeze %dma_start3A_537 : memref<1x1x100xi32, #tpu.memory_space<vmem>> -> memref<100xi32, #tpu.memory_space<vmem>>
        %dma_start3A_539 = arith.constant 0 : i32
        %dma_start3A_540 = arith.constant 0 : i32
        %dma_start3A_541 = tpu.memref_slice %arg3[%dma_start3A_539, %dma_start3A_540] : memref<100000x128xf32, #tpu.memory_space<hbm>> -> memref<100000x128xf32, #tpu.memory_space<hbm>>
        %dma_start3A_542 = tpu.memref_slice %arg10[%dma_start3A_531] : memref<2x!tpu.dma_semaphore, #tpu.memory_space<semaphore_mem>> -> memref<1x!tpu.dma_semaphore, #tpu.memory_space<semaphore_mem>>
        %dma_start3A_543 = tpu.memref_squeeze %dma_start3A_542 : memref<1x!tpu.dma_semaphore, #tpu.memory_space<semaphore_mem>> -> memref<!tpu.dma_semaphore, #tpu.memory_space<semaphore_mem>>
        tpu.enqueue_indirect_dma source(%dma_start3A_541 : memref<100000x128xf32, #tpu.memory_space<hbm>>) target(%dma_start3A_535 : memref<100x128xf32, #tpu.memory_space<vmem>>) offsets(%dma_start3A_538 : memref<100xi32, #tpu.memory_space<vmem>>) semaphore(%dma_start3A_543 : memref<!tpu.dma_semaphore, #tpu.memory_space<semaphore_mem>>)
      } else {
      }
      %dma_wait3A_338 = arith.constant 1 : i32
      %dma_wait3A_339 = arith.constant 0 : i32
      %dma_wait3A_340 = arith.constant 1 : i32
      %dma_wait3A_341 = arith.constant 0 : i32
      %dma_wait3A_342 = arith.constant 1 : i32
      %dma_wait3A_343 = arith.constant 0 : i32
      %dma_wait3A_344 = arith.constant 0 : i32
      %dma_wait3A_345 = tpu.memref_slice %arg7[%dma_wait3A_340, %dma_wait3A_341, %dma_wait3A_343, %dma_wait3A_344] : memref<2x2x200x128xf32, #tpu.memory_space<vmem>> -> memref<1x1x100x128xf32, #tpu.memory_space<vmem>>
      %dma_wait3A_346 = tpu.memref_squeeze %dma_wait3A_345 : memref<1x1x100x128xf32, #tpu.memory_space<vmem>> -> memref<100x128xf32, #tpu.memory_space<vmem>>
      %dma_wait3A_347 = arith.constant 0 : i32
      %dma_wait3A_348 = tpu.memref_slice %arg6[%dma_wait3A_338, %dma_wait3A_339, %dma_wait3A_347] : memref<2x4x100xi32, #tpu.memory_space<vmem>> -> memref<1x1x100xi32, #tpu.memory_space<vmem>>
      %dma_wait3A_349 = tpu.memref_squeeze %dma_wait3A_348 : memref<1x1x100xi32, #tpu.memory_space<vmem>> -> memref<100xi32, #tpu.memory_space<vmem>>
      %dma_wait3A_350 = arith.constant 0 : i32
      %dma_wait3A_351 = arith.constant 0 : i32
      %dma_wait3A_352 = tpu.memref_slice %arg3[%dma_wait3A_350, %dma_wait3A_351] : memref<100000x128xf32, #tpu.memory_space<hbm>> -> memref<100000x128xf32, #tpu.memory_space<hbm>>
      %dma_wait3A_353 = tpu.memref_slice %arg10[%dma_wait3A_342] : memref<2x!tpu.dma_semaphore, #tpu.memory_space<semaphore_mem>> -> memref<1x!tpu.dma_semaphore, #tpu.memory_space<semaphore_mem>>
      %dma_wait3A_354 = tpu.memref_squeeze %dma_wait3A_353 : memref<1x!tpu.dma_semaphore, #tpu.memory_space<semaphore_mem>> -> memref<!tpu.dma_semaphore, #tpu.memory_space<semaphore_mem>>
      tpu.wait_indirect_dma semaphore(%dma_wait3A_354 : memref<!tpu.dma_semaphore, #tpu.memory_space<semaphore_mem>>) src(%dma_wait3A_352 : memref<100000x128xf32, #tpu.memory_space<hbm>>) dst(%dma_wait3A_346 : memref<100x128xf32, #tpu.memory_space<vmem>>)
      %dma_wait3A_355 = arith.constant 1 : i32
      %dma_wait3A_356 = arith.constant 1 : i32
      %dma_wait3A_357 = arith.constant 1 : i32
      %dma_wait3A_358 = arith.constant 0 : i32
      %dma_wait3A_359 = arith.constant 1 : i32
      %dma_wait3A_360 = arith.constant 100 : i32
      %dma_wait3A_361 = arith.constant 0 : i32
      %dma_wait3A_362 = tpu.memref_slice %arg7[%dma_wait3A_357, %dma_wait3A_358, %dma_wait3A_360, %dma_wait3A_361] : memref<2x2x200x128xf32, #tpu.memory_space<vmem>> -> memref<1x1x100x128xf32, #tpu.memory_space<vmem>>
      %dma_wait3A_363 = tpu.memref_squeeze %dma_wait3A_362 : memref<1x1x100x128xf32, #tpu.memory_space<vmem>> -> memref<100x128xf32, #tpu.memory_space<vmem>>
      %dma_wait3A_364 = arith.constant 0 : i32
      %dma_wait3A_365 = tpu.memref_slice %arg6[%dma_wait3A_355, %dma_wait3A_356, %dma_wait3A_364] : memref<2x4x100xi32, #tpu.memory_space<vmem>> -> memref<1x1x100xi32, #tpu.memory_space<vmem>>
      %dma_wait3A_366 = tpu.memref_squeeze %dma_wait3A_365 : memref<1x1x100xi32, #tpu.memory_space<vmem>> -> memref<100xi32, #tpu.memory_space<vmem>>
      %dma_wait3A_367 = arith.constant 0 : i32
      %dma_wait3A_368 = arith.constant 0 : i32
      %dma_wait3A_369 = tpu.memref_slice %arg3[%dma_wait3A_367, %dma_wait3A_368] : memref<100000x128xf32, #tpu.memory_space<hbm>> -> memref<100000x128xf32, #tpu.memory_space<hbm>>
      %dma_wait3A_370 = tpu.memref_slice %arg10[%dma_wait3A_359] : memref<2x!tpu.dma_semaphore, #tpu.memory_space<semaphore_mem>> -> memref<1x!tpu.dma_semaphore, #tpu.memory_space<semaphore_mem>>
      %dma_wait3A_371 = tpu.memref_squeeze %dma_wait3A_370 : memref<1x!tpu.dma_semaphore, #tpu.memory_space<semaphore_mem>> -> memref<!tpu.dma_semaphore, #tpu.memory_space<semaphore_mem>>
      tpu.wait_indirect_dma semaphore(%dma_wait3A_371 : memref<!tpu.dma_semaphore, #tpu.memory_space<semaphore_mem>>) src(%dma_wait3A_369 : memref<100000x128xf32, #tpu.memory_space<hbm>>) dst(%dma_wait3A_363 : memref<100x128xf32, #tpu.memory_space<vmem>>)
      %dma_wait3A_372 = arith.constant 1 : i32
      %dma_wait3A_373 = arith.constant 2 : i32
      %dma_wait3A_374 = arith.constant 1 : i32
      %dma_wait3A_375 = arith.constant 1 : i32
      %dma_wait3A_376 = arith.constant 1 : i32
      %dma_wait3A_377 = arith.constant 0 : i32
      %dma_wait3A_378 = arith.constant 0 : i32
      %dma_wait3A_379 = tpu.memref_slice %arg7[%dma_wait3A_374, %dma_wait3A_375, %dma_wait3A_377, %dma_wait3A_378] : memref<2x2x200x128xf32, #tpu.memory_space<vmem>> -> memref<1x1x100x128xf32, #tpu.memory_space<vmem>>
      %dma_wait3A_380 = tpu.memref_squeeze %dma_wait3A_379 : memref<1x1x100x128xf32, #tpu.memory_space<vmem>> -> memref<100x128xf32, #tpu.memory_space<vmem>>
      %dma_wait3A_381 = arith.constant 0 : i32
      %dma_wait3A_382 = tpu.memref_slice %arg6[%dma_wait3A_372, %dma_wait3A_373, %dma_wait3A_381] : memref<2x4x100xi32, #tpu.memory_space<vmem>> -> memref<1x1x100xi32, #tpu.memory_space<vmem>>
      %dma_wait3A_383 = tpu.memref_squeeze %dma_wait3A_382 : memref<1x1x100xi32, #tpu.memory_space<vmem>> -> memref<100xi32, #tpu.memory_space<vmem>>
      %dma_wait3A_384 = arith.constant 0 : i32
      %dma_wait3A_385 = arith.constant 0 : i32
      %dma_wait3A_386 = tpu.memref_slice %arg3[%dma_wait3A_384, %dma_wait3A_385] : memref<100000x128xf32, #tpu.memory_space<hbm>> -> memref<100000x128xf32, #tpu.memory_space<hbm>>
      %dma_wait3A_387 = tpu.memref_slice %arg10[%dma_wait3A_376] : memref<2x!tpu.dma_semaphore, #tpu.memory_space<semaphore_mem>> -> memref<1x!tpu.dma_semaphore, #tpu.memory_space<semaphore_mem>>
      %dma_wait3A_388 = tpu.memref_squeeze %dma_wait3A_387 : memref<1x!tpu.dma_semaphore, #tpu.memory_space<semaphore_mem>> -> memref<!tpu.dma_semaphore, #tpu.memory_space<semaphore_mem>>
      tpu.wait_indirect_dma semaphore(%dma_wait3A_388 : memref<!tpu.dma_semaphore, #tpu.memory_space<semaphore_mem>>) src(%dma_wait3A_386 : memref<100000x128xf32, #tpu.memory_space<hbm>>) dst(%dma_wait3A_380 : memref<100x128xf32, #tpu.memory_space<vmem>>)
      %dma_wait3A_389 = arith.constant 1 : i32
      %dma_wait3A_390 = arith.constant 3 : i32
      %dma_wait3A_391 = arith.constant 1 : i32
      %dma_wait3A_392 = arith.constant 1 : i32
      %dma_wait3A_393 = arith.constant 1 : i32
      %dma_wait3A_394 = arith.constant 100 : i32
      %dma_wait3A_395 = arith.constant 0 : i32
      %dma_wait3A_396 = tpu.memref_slice %arg7[%dma_wait3A_391, %dma_wait3A_392, %dma_wait3A_394, %dma_wait3A_395] : memref<2x2x200x128xf32, #tpu.memory_space<vmem>> -> memref<1x1x100x128xf32, #tpu.memory_space<vmem>>
      %dma_wait3A_397 = tpu.memref_squeeze %dma_wait3A_396 : memref<1x1x100x128xf32, #tpu.memory_space<vmem>> -> memref<100x128xf32, #tpu.memory_space<vmem>>
      %dma_wait3A_398 = arith.constant 0 : i32
      %dma_wait3A_399 = tpu.memref_slice %arg6[%dma_wait3A_389, %dma_wait3A_390, %dma_wait3A_398] : memref<2x4x100xi32, #tpu.memory_space<vmem>> -> memref<1x1x100xi32, #tpu.memory_space<vmem>>
      %dma_wait3A_400 = tpu.memref_squeeze %dma_wait3A_399 : memref<1x1x100xi32, #tpu.memory_space<vmem>> -> memref<100xi32, #tpu.memory_space<vmem>>
      %dma_wait3A_401 = arith.constant 0 : i32
      %dma_wait3A_402 = arith.constant 0 : i32
      %dma_wait3A_403 = tpu.memref_slice %arg3[%dma_wait3A_401, %dma_wait3A_402] : memref<100000x128xf32, #tpu.memory_space<hbm>> -> memref<100000x128xf32, #tpu.memory_space<hbm>>
      %dma_wait3A_404 = tpu.memref_slice %arg10[%dma_wait3A_393] : memref<2x!tpu.dma_semaphore, #tpu.memory_space<semaphore_mem>> -> memref<1x!tpu.dma_semaphore, #tpu.memory_space<semaphore_mem>>
      %dma_wait3A_405 = tpu.memref_squeeze %dma_wait3A_404 : memref<1x!tpu.dma_semaphore, #tpu.memory_space<semaphore_mem>> -> memref<!tpu.dma_semaphore, #tpu.memory_space<semaphore_mem>>
      tpu.wait_indirect_dma semaphore(%dma_wait3A_405 : memref<!tpu.dma_semaphore, #tpu.memory_space<semaphore_mem>>) src(%dma_wait3A_403 : memref<100000x128xf32, #tpu.memory_space<hbm>>) dst(%dma_wait3A_397 : memref<100x128xf32, #tpu.memory_space<vmem>>)
      %add3A_406 = arith.constant 2 : i32
      %add3A_407 = arith.addi %add3A_327, %add3A_406 : i32
      %min3A_408 = arith.constant 63 : i32
      %min3A_409 = arith.minsi %add3A_407, %min3A_408 : i32
      %mul3A_410 = arith.constant 4 : i32
      %mul3A_411 = arith.muli %min3A_409, %mul3A_410 : i32
      %add3A_412 = arith.addi %mul3A_4, %mul3A_411 : i32
      %dma_start3A_413 = arith.constant 1 : i32
      %dma_start3A_414 = arith.constant 1 : i32
      %dma_start3A_415 = arith.constant 0 : i32
      %dma_start3A_416 = arith.constant 0 : i32
      %dma_start3A_417 = tpu.memref_slice %arg6[%dma_start3A_413, %dma_start3A_415, %dma_start3A_416] : memref<2x4x100xi32, #tpu.memory_space<vmem>> -> memref<1x4x100xi32, #tpu.memory_space<vmem>>
      %dma_start3A_418 = tpu.memref_squeeze %dma_start3A_417 : memref<1x4x100xi32, #tpu.memory_space<vmem>> -> memref<4x100xi32, #tpu.memory_space<vmem>>
      %dma_start3A_419 = arith.constant 0 : i32
      %dma_start3A_420 = tpu.memref_slice %arg2[%add3A_412, %dma_start3A_419] : memref<8192x100xi32, #tpu.memory_space<hbm>> -> memref<4x100xi32, #tpu.memory_space<hbm>>
      %dma_start3A_421 = tpu.memref_slice %arg9[%dma_start3A_414] : memref<2x!tpu.dma_semaphore, #tpu.memory_space<semaphore_mem>> -> memref<1x!tpu.dma_semaphore, #tpu.memory_space<semaphore_mem>>
      %dma_start3A_422 = tpu.memref_squeeze %dma_start3A_421 : memref<1x!tpu.dma_semaphore, #tpu.memory_space<semaphore_mem>> -> memref<!tpu.dma_semaphore, #tpu.memory_space<semaphore_mem>>
      %dma_start3A_423 = arith.constant 0 : i32
      %dma_start3A_424 = arith.constant 0 : i32
      %dma_start3A_425 = tpu.memref_slice %arg6[%dma_start3A_413, %dma_start3A_423, %dma_start3A_424] : memref<2x4x100xi32, #tpu.memory_space<vmem>> -> memref<1x4x100xi32, #tpu.memory_space<vmem>>
      %dma_start3A_426 = tpu.memref_squeeze %dma_start3A_425 : memref<1x4x100xi32, #tpu.memory_space<vmem>> -> memref<4x100xi32, #tpu.memory_space<vmem>>
      %dma_start3A_427 = arith.constant 0 : i32
      %dma_start3A_428 = tpu.memref_slice %arg2[%add3A_412, %dma_start3A_427] : memref<8192x100xi32, #tpu.memory_space<hbm>> -> memref<4x100xi32, #tpu.memory_space<hbm>>
      tpu.enqueue_dma source(%dma_start3A_428 : memref<4x100xi32, #tpu.memory_space<hbm>>) target(%dma_start3A_426 : memref<4x100xi32, #tpu.memory_space<vmem>>) target_semaphore(%dma_start3A_422 : memref<!tpu.dma_semaphore, #tpu.memory_space<semaphore_mem>>)
      %scan3A_429 = arith.constant 0 : i32
      %scan3A_430 = arith.constant 0 : i32
      %scan3A_431 = arith.constant 200 : i32
      %scan3A_432 = arith.addi %scan3A_430, %scan3A_431 : i32
      %scan3A_433 = arith.constant 2 : i32
      scf.for %scan3A_460 = %scan3A_430 to %scan3A_432 step %scan3A_433  : i32 {
        %mul3A_461 = arith.constant 128 : i32
        %mul3A_462 = arith.muli %scan3A_460, %mul3A_461 : i32
        %add3A_463 = arith.constant 0 : i32
        %add3A_464 = arith.addi %mul3A_462, %add3A_463 : i32
        %get3A = arith.index_cast %add3A_464 : i32 to index
        %get3A_465 = tpu.vector_load %arg8[%get3A] {strides = array<i32>} : memref<25600xf32, #tpu.memory_space<vmem>>, vector<16xf32>,
        %get3A_466 = vector.shape_cast %get3A_465 : vector<16xf32> to vector<16xf32>
        %add3A_467 = arith.constant 16 : i32
        %add3A_468 = arith.addi %mul3A_462, %add3A_467 : i32
        %get3A_469 = arith.index_cast %add3A_468 : i32 to index
        %get3A_470 = tpu.vector_load %arg8[%get3A_469] {strides = array<i32>} : memref<25600xf32, #tpu.memory_space<vmem>>, vector<16xf32>,
        %get3A_471 = vector.shape_cast %get3A_470 : vector<16xf32> to vector<16xf32>
        %add3A_472 = arith.constant 32 : i32
        %add3A_473 = arith.addi %mul3A_462, %add3A_472 : i32
        %get3A_474 = arith.index_cast %add3A_473 : i32 to index
        %get3A_475 = tpu.vector_load %arg8[%get3A_474] {strides = array<i32>} : memref<25600xf32, #tpu.memory_space<vmem>>, vector<16xf32>,
        %get3A_476 = vector.shape_cast %get3A_475 : vector<16xf32> to vector<16xf32>
        %add3A_477 = arith.constant 48 : i32
        %add3A_478 = arith.addi %mul3A_462, %add3A_477 : i32
        %get3A_479 = arith.index_cast %add3A_478 : i32 to index
        %get3A_480 = tpu.vector_load %arg8[%get3A_479] {strides = array<i32>} : memref<25600xf32, #tpu.memory_space<vmem>>, vector<16xf32>,
        %get3A_481 = vector.shape_cast %get3A_480 : vector<16xf32> to vector<16xf32>
        %add3A_482 = arith.constant 64 : i32
        %add3A_483 = arith.addi %mul3A_462, %add3A_482 : i32
        %get3A_484 = arith.index_cast %add3A_483 : i32 to index
        %get3A_485 = tpu.vector_load %arg8[%get3A_484] {strides = array<i32>} : memref<25600xf32, #tpu.memory_space<vmem>>, vector<16xf32>,
        %get3A_486 = vector.shape_cast %get3A_485 : vector<16xf32> to vector<16xf32>
        %add3A_487 = arith.constant 80 : i32
        %add3A_488 = arith.addi %mul3A_462, %add3A_487 : i32
        %get3A_489 = arith.index_cast %add3A_488 : i32 to index
        %get3A_490 = tpu.vector_load %arg8[%get3A_489] {strides = array<i32>} : memref<25600xf32, #tpu.memory_space<vmem>>, vector<16xf32>,
        %get3A_491 = vector.shape_cast %get3A_490 : vector<16xf32> to vector<16xf32>
        %add3A_492 = arith.constant 96 : i32
        %add3A_493 = arith.addi %mul3A_462, %add3A_492 : i32
        %get3A_494 = arith.index_cast %add3A_493 : i32 to index
        %get3A_495 = tpu.vector_load %arg8[%get3A_494] {strides = array<i32>} : memref<25600xf32, #tpu.memory_space<vmem>>, vector<16xf32>,
        %get3A_496 = vector.shape_cast %get3A_495 : vector<16xf32> to vector<16xf32>
        %add3A_497 = arith.constant 112 : i32
        %add3A_498 = arith.addi %mul3A_462, %add3A_497 : i32
        %get3A_499 = arith.index_cast %add3A_498 : i32 to index
        %get3A_500 = tpu.vector_load %arg8[%get3A_499] {strides = array<i32>} : memref<25600xf32, #tpu.memory_space<vmem>>, vector<16xf32>,
        %get3A_501 = vector.shape_cast %get3A_500 : vector<16xf32> to vector<16xf32>
        %swap3A = arith.constant 1 : i32
        %swap3A_502 = arith.constant 0 : i32
        %swap3A_503 = arith.index_cast %swap3A : i32 to index
        %swap3A_504 = arith.index_cast %swap3A_502 : i32 to index
        %swap3A_505 = arith.index_cast %scan3A_460 : i32 to index
        %swap3A_506 = arith.constant 0 : index
        %swap3A_507 = tpu.vector_load %arg7[%swap3A_503, %swap3A_504, %swap3A_505, %swap3A_506] {strides = array<i32>} : memref<2x2x200x128xf32, #tpu.memory_space<vmem>>, vector<1x1x1x16xf32>,
        %swap3A_508 = vector.shape_cast %swap3A_507 : vector<1x1x1x16xf32> to vector<16xf32>
        %swap3A_509 = vector.shape_cast %get3A_466 : vector<16xf32> to vector<1x1x1x16xf32>
        tpu.vector_store %arg7[%swap3A_503, %swap3A_504, %swap3A_505, %swap3A_506], %swap3A_509 {add = true, strides = array<i32>} : memref<2x2x200x128xf32, #tpu.memory_space<vmem>>, vector<1x1x1x16xf32>,
        %swap3A_510 = arith.constant 1 : i32
        %swap3A_511 = arith.constant 0 : i32
        %swap3A_512 = arith.index_cast %swap3A_510 : i32 to index
        %swap3A_513 = arith.index_cast %swap3A_511 : i32 to index
        %swap3A_514 = arith.index_cast %scan3A_460 : i32 to index
        %swap3A_515 = arith.constant 16 : index
        %swap3A_516 = tpu.vector_load %arg7[%swap3A_512, %swap3A_513, %swap3A_514, %swap3A_515] {strides = array<i32>} : memref<2x2x200x128xf32, #tpu.memory_space<vmem>>, vector<1x1x1x16xf32>,
        %swap3A_517 = vector.shape_cast %swap3A_516 : vector<1x1x1x16xf32> to vector<16xf32>
        %swap3A_518 = vector.shape_cast %get3A_471 : vector<16xf32> to vector<1x1x1x16xf32>
        tpu.vector_store %arg7[%swap3A_512, %swap3A_513, %swap3A_514, %swap3A_515], %swap3A_518 {add = true, strides = array<i32>} : memref<2x2x200x128xf32, #tpu.memory_space<vmem>>, vector<1x1x1x16xf32>,
        %swap3A_519 = arith.constant 1 : i32
        %swap3A_520 = arith.constant 0 : i32
        %swap3A_521 = arith.index_cast %swap3A_519 : i32 to index
        %swap3A_522 = arith.index_cast %swap3A_520 : i32 to index
        %swap3A_523 = arith.index_cast %scan3A_460 : i32 to index
        %swap3A_524 = arith.constant 32 : index
        %swap3A_525 = tpu.vector_load %arg7[%swap3A_521, %swap3A_522, %swap3A_523, %swap3A_524] {strides = array<i32>} : memref<2x2x200x128xf32, #tpu.memory_space<vmem>>, vector<1x1x1x16xf32>,
        %swap3A_526 = vector.shape_cast %swap3A_525 : vector<1x1x1x16xf32> to vector<16xf32>
        %swap3A_527 = vector.shape_cast %get3A_476 : vector<16xf32> to vector<1x1x1x16xf32>
        tpu.vector_store %arg7[%swap3A_521, %swap3A_522, %swap3A_523, %swap3A_524], %swap3A_527 {add = true, strides = array<i32>} : memref<2x2x200x128xf32, #tpu.memory_space<vmem>>, vector<1x1x1x16xf32>,
        %swap3A_528 = arith.constant 1 : i32
        %swap3A_529 = arith.constant 0 : i32
        %swap3A_530 = arith.index_cast %swap3A_528 : i32 to index
        %swap3A_531 = arith.index_cast %swap3A_529 : i32 to index
        %swap3A_532 = arith.index_cast %scan3A_460 : i32 to index
        %swap3A_533 = arith.constant 48 : index
        %swap3A_534 = tpu.vector_load %arg7[%swap3A_530, %swap3A_531, %swap3A_532, %swap3A_533] {strides = array<i32>} : memref<2x2x200x128xf32, #tpu.memory_space<vmem>>, vector<1x1x1x16xf32>,
        %swap3A_535 = vector.shape_cast %swap3A_534 : vector<1x1x1x16xf32> to vector<16xf32>
        %swap3A_536 = vector.shape_cast %get3A_481 : vector<16xf32> to vector<1x1x1x16xf32>
        tpu.vector_store %arg7[%swap3A_530, %swap3A_531, %swap3A_532, %swap3A_533], %swap3A_536 {add = true, strides = array<i32>} : memref<2x2x200x128xf32, #tpu.memory_space<vmem>>, vector<1x1x1x16xf32>,
        %swap3A_537 = arith.constant 1 : i32
        %swap3A_538 = arith.constant 0 : i32
        %swap3A_539 = arith.index_cast %swap3A_537 : i32 to index
        %swap3A_540 = arith.index_cast %swap3A_538 : i32 to index
        %swap3A_541 = arith.index_cast %scan3A_460 : i32 to index
        %swap3A_542 = arith.constant 64 : index
        %swap3A_543 = tpu.vector_load %arg7[%swap3A_539, %swap3A_540, %swap3A_541, %swap3A_542] {strides = array<i32>} : memref<2x2x200x128xf32, #tpu.memory_space<vmem>>, vector<1x1x1x16xf32>,
        %swap3A_544 = vector.shape_cast %swap3A_543 : vector<1x1x1x16xf32> to vector<16xf32>
        %swap3A_545 = vector.shape_cast %get3A_486 : vector<16xf32> to vector<1x1x1x16xf32>
        tpu.vector_store %arg7[%swap3A_539, %swap3A_540, %swap3A_541, %swap3A_542], %swap3A_545 {add = true, strides = array<i32>} : memref<2x2x200x128xf32, #tpu.memory_space<vmem>>, vector<1x1x1x16xf32>,
        %swap3A_546 = arith.constant 1 : i32
        %swap3A_547 = arith.constant 0 : i32
        %swap3A_548 = arith.index_cast %swap3A_546 : i32 to index
        %swap3A_549 = arith.index_cast %swap3A_547 : i32 to index
        %swap3A_550 = arith.index_cast %scan3A_460 : i32 to index
        %swap3A_551 = arith.constant 80 : index
        %swap3A_552 = tpu.vector_load %arg7[%swap3A_548, %swap3A_549, %swap3A_550, %swap3A_551] {strides = array<i32>} : memref<2x2x200x128xf32, #tpu.memory_space<vmem>>, vector<1x1x1x16xf32>,
        %swap3A_553 = vector.shape_cast %swap3A_552 : vector<1x1x1x16xf32> to vector<16xf32>
        %swap3A_554 = vector.shape_cast %get3A_491 : vector<16xf32> to vector<1x1x1x16xf32>
        tpu.vector_store %arg7[%swap3A_548, %swap3A_549, %swap3A_550, %swap3A_551], %swap3A_554 {add = true, strides = array<i32>} : memref<2x2x200x128xf32, #tpu.memory_space<vmem>>, vector<1x1x1x16xf32>,
        %swap3A_555 = arith.constant 1 : i32
        %swap3A_556 = arith.constant 0 : i32
        %swap3A_557 = arith.index_cast %swap3A_555 : i32 to index
        %swap3A_558 = arith.index_cast %swap3A_556 : i32 to index
        %swap3A_559 = arith.index_cast %scan3A_460 : i32 to index
        %swap3A_560 = arith.constant 96 : index
        %swap3A_561 = tpu.vector_load %arg7[%swap3A_557, %swap3A_558, %swap3A_559, %swap3A_560] {strides = array<i32>} : memref<2x2x200x128xf32, #tpu.memory_space<vmem>>, vector<1x1x1x16xf32>,
        %swap3A_562 = vector.shape_cast %swap3A_561 : vector<1x1x1x16xf32> to vector<16xf32>
        %swap3A_563 = vector.shape_cast %get3A_496 : vector<16xf32> to vector<1x1x1x16xf32>
        tpu.vector_store %arg7[%swap3A_557, %swap3A_558, %swap3A_559, %swap3A_560], %swap3A_563 {add = true, strides = array<i32>} : memref<2x2x200x128xf32, #tpu.memory_space<vmem>>, vector<1x1x1x16xf32>,
        %swap3A_564 = arith.constant 1 : i32
        %swap3A_565 = arith.constant 0 : i32
        %swap3A_566 = arith.index_cast %swap3A_564 : i32 to index
        %swap3A_567 = arith.index_cast %swap3A_565 : i32 to index
        %swap3A_568 = arith.index_cast %scan3A_460 : i32 to index
        %swap3A_569 = arith.constant 112 : index
        %swap3A_570 = tpu.vector_load %arg7[%swap3A_566, %swap3A_567, %swap3A_568, %swap3A_569] {strides = array<i32>} : memref<2x2x200x128xf32, #tpu.memory_space<vmem>>, vector<1x1x1x16xf32>,
        %swap3A_571 = vector.shape_cast %swap3A_570 : vector<1x1x1x16xf32> to vector<16xf32>
        %swap3A_572 = vector.shape_cast %get3A_501 : vector<16xf32> to vector<1x1x1x16xf32>
        tpu.vector_store %arg7[%swap3A_566, %swap3A_567, %swap3A_568, %swap3A_569], %swap3A_572 {add = true, strides = array<i32>} : memref<2x2x200x128xf32, #tpu.memory_space<vmem>>, vector<1x1x1x16xf32>,
        %swap3A_573 = arith.constant 1 : i32
        %swap3A_574 = arith.constant 1 : i32
        %swap3A_575 = arith.index_cast %swap3A_573 : i32 to index
        %swap3A_576 = arith.index_cast %swap3A_574 : i32 to index
        %swap3A_577 = arith.index_cast %scan3A_460 : i32 to index
        %swap3A_578 = arith.constant 0 : index
        %swap3A_579 = tpu.vector_load %arg7[%swap3A_575, %swap3A_576, %swap3A_577, %swap3A_578] {strides = array<i32>} : memref<2x2x200x128xf32, #tpu.memory_space<vmem>>, vector<1x1x1x16xf32>,
        %swap3A_580 = vector.shape_cast %swap3A_579 : vector<1x1x1x16xf32> to vector<16xf32>
        %swap3A_581 = vector.shape_cast %get3A_466 : vector<16xf32> to vector<1x1x1x16xf32>
        tpu.vector_store %arg7[%swap3A_575, %swap3A_576, %swap3A_577, %swap3A_578], %swap3A_581 {add = true, strides = array<i32>} : memref<2x2x200x128xf32, #tpu.memory_space<vmem>>, vector<1x1x1x16xf32>,
        %swap3A_582 = arith.constant 1 : i32
        %swap3A_583 = arith.constant 1 : i32
        %swap3A_584 = arith.index_cast %swap3A_582 : i32 to index
        %swap3A_585 = arith.index_cast %swap3A_583 : i32 to index
        %swap3A_586 = arith.index_cast %scan3A_460 : i32 to index
        %swap3A_587 = arith.constant 16 : index
        %swap3A_588 = tpu.vector_load %arg7[%swap3A_584, %swap3A_585, %swap3A_586, %swap3A_587] {strides = array<i32>} : memref<2x2x200x128xf32, #tpu.memory_space<vmem>>, vector<1x1x1x16xf32>,
        %swap3A_589 = vector.shape_cast %swap3A_588 : vector<1x1x1x16xf32> to vector<16xf32>
        %swap3A_590 = vector.shape_cast %get3A_471 : vector<16xf32> to vector<1x1x1x16xf32>
        tpu.vector_store %arg7[%swap3A_584, %swap3A_585, %swap3A_586, %swap3A_587], %swap3A_590 {add = true, strides = array<i32>} : memref<2x2x200x128xf32, #tpu.memory_space<vmem>>, vector<1x1x1x16xf32>,
        %swap3A_591 = arith.constant 1 : i32
        %swap3A_592 = arith.constant 1 : i32
        %swap3A_593 = arith.index_cast %swap3A_591 : i32 to index
        %swap3A_594 = arith.index_cast %swap3A_592 : i32 to index
        %swap3A_595 = arith.index_cast %scan3A_460 : i32 to index
        %swap3A_596 = arith.constant 32 : index
        %swap3A_597 = tpu.vector_load %arg7[%swap3A_593, %swap3A_594, %swap3A_595, %swap3A_596] {strides = array<i32>} : memref<2x2x200x128xf32, #tpu.memory_space<vmem>>, vector<1x1x1x16xf32>,
        %swap3A_598 = vector.shape_cast %swap3A_597 : vector<1x1x1x16xf32> to vector<16xf32>
        %swap3A_599 = vector.shape_cast %get3A_476 : vector<16xf32> to vector<1x1x1x16xf32>
        tpu.vector_store %arg7[%swap3A_593, %swap3A_594, %swap3A_595, %swap3A_596], %swap3A_599 {add = true, strides = array<i32>} : memref<2x2x200x128xf32, #tpu.memory_space<vmem>>, vector<1x1x1x16xf32>,
        %swap3A_600 = arith.constant 1 : i32
        %swap3A_601 = arith.constant 1 : i32
        %swap3A_602 = arith.index_cast %swap3A_600 : i32 to index
        %swap3A_603 = arith.index_cast %swap3A_601 : i32 to index
        %swap3A_604 = arith.index_cast %scan3A_460 : i32 to index
        %swap3A_605 = arith.constant 48 : index
        %swap3A_606 = tpu.vector_load %arg7[%swap3A_602, %swap3A_603, %swap3A_604, %swap3A_605] {strides = array<i32>} : memref<2x2x200x128xf32, #tpu.memory_space<vmem>>, vector<1x1x1x16xf32>,
        %swap3A_607 = vector.shape_cast %swap3A_606 : vector<1x1x1x16xf32> to vector<16xf32>
        %swap3A_608 = vector.shape_cast %get3A_481 : vector<16xf32> to vector<1x1x1x16xf32>
        tpu.vector_store %arg7[%swap3A_602, %swap3A_603, %swap3A_604, %swap3A_605], %swap3A_608 {add = true, strides = array<i32>} : memref<2x2x200x128xf32, #tpu.memory_space<vmem>>, vector<1x1x1x16xf32>,
        %swap3A_609 = arith.constant 1 : i32
        %swap3A_610 = arith.constant 1 : i32
        %swap3A_611 = arith.index_cast %swap3A_609 : i32 to index
        %swap3A_612 = arith.index_cast %swap3A_610 : i32 to index
        %swap3A_613 = arith.index_cast %scan3A_460 : i32 to index
        %swap3A_614 = arith.constant 64 : index
        %swap3A_615 = tpu.vector_load %arg7[%swap3A_611, %swap3A_612, %swap3A_613, %swap3A_614] {strides = array<i32>} : memref<2x2x200x128xf32, #tpu.memory_space<vmem>>, vector<1x1x1x16xf32>,
        %swap3A_616 = vector.shape_cast %swap3A_615 : vector<1x1x1x16xf32> to vector<16xf32>
        %swap3A_617 = vector.shape_cast %get3A_486 : vector<16xf32> to vector<1x1x1x16xf32>
        tpu.vector_store %arg7[%swap3A_611, %swap3A_612, %swap3A_613, %swap3A_614], %swap3A_617 {add = true, strides = array<i32>} : memref<2x2x200x128xf32, #tpu.memory_space<vmem>>, vector<1x1x1x16xf32>,
        %swap3A_618 = arith.constant 1 : i32
        %swap3A_619 = arith.constant 1 : i32
        %swap3A_620 = arith.index_cast %swap3A_618 : i32 to index
        %swap3A_621 = arith.index_cast %swap3A_619 : i32 to index
        %swap3A_622 = arith.index_cast %scan3A_460 : i32 to index
        %swap3A_623 = arith.constant 80 : index
        %swap3A_624 = tpu.vector_load %arg7[%swap3A_620, %swap3A_621, %swap3A_622, %swap3A_623] {strides = array<i32>} : memref<2x2x200x128xf32, #tpu.memory_space<vmem>>, vector<1x1x1x16xf32>,
        %swap3A_625 = vector.shape_cast %swap3A_624 : vector<1x1x1x16xf32> to vector<16xf32>
        %swap3A_626 = vector.shape_cast %get3A_491 : vector<16xf32> to vector<1x1x1x16xf32>
        tpu.vector_store %arg7[%swap3A_620, %swap3A_621, %swap3A_622, %swap3A_623], %swap3A_626 {add = true, strides = array<i32>} : memref<2x2x200x128xf32, #tpu.memory_space<vmem>>, vector<1x1x1x16xf32>,
        %swap3A_627 = arith.constant 1 : i32
        %swap3A_628 = arith.constant 1 : i32
        %swap3A_629 = arith.index_cast %swap3A_627 : i32 to index
        %swap3A_630 = arith.index_cast %swap3A_628 : i32 to index
        %swap3A_631 = arith.index_cast %scan3A_460 : i32 to index
        %swap3A_632 = arith.constant 96 : index
        %swap3A_633 = tpu.vector_load %arg7[%swap3A_629, %swap3A_630, %swap3A_631, %swap3A_632] {strides = array<i32>} : memref<2x2x200x128xf32, #tpu.memory_space<vmem>>, vector<1x1x1x16xf32>,
        %swap3A_634 = vector.shape_cast %swap3A_633 : vector<1x1x1x16xf32> to vector<16xf32>
        %swap3A_635 = vector.shape_cast %get3A_496 : vector<16xf32> to vector<1x1x1x16xf32>
        tpu.vector_store %arg7[%swap3A_629, %swap3A_630, %swap3A_631, %swap3A_632], %swap3A_635 {add = true, strides = array<i32>} : memref<2x2x200x128xf32, #tpu.memory_space<vmem>>, vector<1x1x1x16xf32>,
        %swap3A_636 = arith.constant 1 : i32
        %swap3A_637 = arith.constant 1 : i32
        %swap3A_638 = arith.index_cast %swap3A_636 : i32 to index
        %swap3A_639 = arith.index_cast %swap3A_637 : i32 to index
        %swap3A_640 = arith.index_cast %scan3A_460 : i32 to index
        %swap3A_641 = arith.constant 112 : index
        %swap3A_642 = tpu.vector_load %arg7[%swap3A_638, %swap3A_639, %swap3A_640, %swap3A_641] {strides = array<i32>} : memref<2x2x200x128xf32, #tpu.memory_space<vmem>>, vector<1x1x1x16xf32>,
        %swap3A_643 = vector.shape_cast %swap3A_642 : vector<1x1x1x16xf32> to vector<16xf32>
        %swap3A_644 = vector.shape_cast %get3A_501 : vector<16xf32> to vector<1x1x1x16xf32>
        tpu.vector_store %arg7[%swap3A_638, %swap3A_639, %swap3A_640, %swap3A_641], %swap3A_644 {add = true, strides = array<i32>} : memref<2x2x200x128xf32, #tpu.memory_space<vmem>>, vector<1x1x1x16xf32>,
        %scan3A_645 = arith.constant 1 : i32
        %scan3A_646 = arith.addi %scan3A_460, %scan3A_645 : i32
        %mul3A_647 = arith.constant 128 : i32
        %mul3A_648 = arith.muli %scan3A_646, %mul3A_647 : i32
        %add3A_649 = arith.constant 0 : i32
        %add3A_650 = arith.addi %mul3A_648, %add3A_649 : i32
        %get3A_651 = arith.index_cast %add3A_650 : i32 to index
        %get3A_652 = tpu.vector_load %arg8[%get3A_651] {strides = array<i32>} : memref<25600xf32, #tpu.memory_space<vmem>>, vector<16xf32>,
        %get3A_653 = vector.shape_cast %get3A_652 : vector<16xf32> to vector<16xf32>
        %add3A_654 = arith.constant 16 : i32
        %add3A_655 = arith.addi %mul3A_648, %add3A_654 : i32
        %get3A_656 = arith.index_cast %add3A_655 : i32 to index
        %get3A_657 = tpu.vector_load %arg8[%get3A_656] {strides = array<i32>} : memref<25600xf32, #tpu.memory_space<vmem>>, vector<16xf32>,
        %get3A_658 = vector.shape_cast %get3A_657 : vector<16xf32> to vector<16xf32>
        %add3A_659 = arith.constant 32 : i32
        %add3A_660 = arith.addi %mul3A_648, %add3A_659 : i32
        %get3A_661 = arith.index_cast %add3A_660 : i32 to index
        %get3A_662 = tpu.vector_load %arg8[%get3A_661] {strides = array<i32>} : memref<25600xf32, #tpu.memory_space<vmem>>, vector<16xf32>,
        %get3A_663 = vector.shape_cast %get3A_662 : vector<16xf32> to vector<16xf32>
        %add3A_664 = arith.constant 48 : i32
        %add3A_665 = arith.addi %mul3A_648, %add3A_664 : i32
        %get3A_666 = arith.index_cast %add3A_665 : i32 to index
        %get3A_667 = tpu.vector_load %arg8[%get3A_666] {strides = array<i32>} : memref<25600xf32, #tpu.memory_space<vmem>>, vector<16xf32>,
        %get3A_668 = vector.shape_cast %get3A_667 : vector<16xf32> to vector<16xf32>
        %add3A_669 = arith.constant 64 : i32
        %add3A_670 = arith.addi %mul3A_648, %add3A_669 : i32
        %get3A_671 = arith.index_cast %add3A_670 : i32 to index
        %get3A_672 = tpu.vector_load %arg8[%get3A_671] {strides = array<i32>} : memref<25600xf32, #tpu.memory_space<vmem>>, vector<16xf32>,
        %get3A_673 = vector.shape_cast %get3A_672 : vector<16xf32> to vector<16xf32>
        %add3A_674 = arith.constant 80 : i32
        %add3A_675 = arith.addi %mul3A_648, %add3A_674 : i32
        %get3A_676 = arith.index_cast %add3A_675 : i32 to index
        %get3A_677 = tpu.vector_load %arg8[%get3A_676] {strides = array<i32>} : memref<25600xf32, #tpu.memory_space<vmem>>, vector<16xf32>,
        %get3A_678 = vector.shape_cast %get3A_677 : vector<16xf32> to vector<16xf32>
        %add3A_679 = arith.constant 96 : i32
        %add3A_680 = arith.addi %mul3A_648, %add3A_679 : i32
        %get3A_681 = arith.index_cast %add3A_680 : i32 to index
        %get3A_682 = tpu.vector_load %arg8[%get3A_681] {strides = array<i32>} : memref<25600xf32, #tpu.memory_space<vmem>>, vector<16xf32>,
        %get3A_683 = vector.shape_cast %get3A_682 : vector<16xf32> to vector<16xf32>
        %add3A_684 = arith.constant 112 : i32
        %add3A_685 = arith.addi %mul3A_648, %add3A_684 : i32
        %get3A_686 = arith.index_cast %add3A_685 : i32 to index
        %get3A_687 = tpu.vector_load %arg8[%get3A_686] {strides = array<i32>} : memref<25600xf32, #tpu.memory_space<vmem>>, vector<16xf32>,
        %get3A_688 = vector.shape_cast %get3A_687 : vector<16xf32> to vector<16xf32>
        %swap3A_689 = arith.constant 1 : i32
        %swap3A_690 = arith.constant 0 : i32
        %swap3A_691 = arith.index_cast %swap3A_689 : i32 to index
        %swap3A_692 = arith.index_cast %swap3A_690 : i32 to index
        %swap3A_693 = arith.index_cast %scan3A_646 : i32 to index
        %swap3A_694 = arith.constant 0 : index
        %swap3A_695 = tpu.vector_load %arg7[%swap3A_691, %swap3A_692, %swap3A_693, %swap3A_694] {strides = array<i32>} : memref<2x2x200x128xf32, #tpu.memory_space<vmem>>, vector<1x1x1x16xf32>,
        %swap3A_696 = vector.shape_cast %swap3A_695 : vector<1x1x1x16xf32> to vector<16xf32>
        %swap3A_697 = vector.shape_cast %get3A_653 : vector<16xf32> to vector<1x1x1x16xf32>
        tpu.vector_store %arg7[%swap3A_691, %swap3A_692, %swap3A_693, %swap3A_694], %swap3A_697 {add = true, strides = array<i32>} : memref<2x2x200x128xf32, #tpu.memory_space<vmem>>, vector<1x1x1x16xf32>,
        %swap3A_698 = arith.constant 1 : i32
        %swap3A_699 = arith.constant 0 : i32
        %swap3A_700 = arith.index_cast %swap3A_698 : i32 to index
        %swap3A_701 = arith.index_cast %swap3A_699 : i32 to index
        %swap3A_702 = arith.index_cast %scan3A_646 : i32 to index
        %swap3A_703 = arith.constant 16 : index
        %swap3A_704 = tpu.vector_load %arg7[%swap3A_700, %swap3A_701, %swap3A_702, %swap3A_703] {strides = array<i32>} : memref<2x2x200x128xf32, #tpu.memory_space<vmem>>, vector<1x1x1x16xf32>,
        %swap3A_705 = vector.shape_cast %swap3A_704 : vector<1x1x1x16xf32> to vector<16xf32>
        %swap3A_706 = vector.shape_cast %get3A_658 : vector<16xf32> to vector<1x1x1x16xf32>
        tpu.vector_store %arg7[%swap3A_700, %swap3A_701, %swap3A_702, %swap3A_703], %swap3A_706 {add = true, strides = array<i32>} : memref<2x2x200x128xf32, #tpu.memory_space<vmem>>, vector<1x1x1x16xf32>,
        %swap3A_707 = arith.constant 1 : i32
        %swap3A_708 = arith.constant 0 : i32
        %swap3A_709 = arith.index_cast %swap3A_707 : i32 to index
        %swap3A_710 = arith.index_cast %swap3A_708 : i32 to index
        %swap3A_711 = arith.index_cast %scan3A_646 : i32 to index
        %swap3A_712 = arith.constant 32 : index
        %swap3A_713 = tpu.vector_load %arg7[%swap3A_709, %swap3A_710, %swap3A_711, %swap3A_712] {strides = array<i32>} : memref<2x2x200x128xf32, #tpu.memory_space<vmem>>, vector<1x1x1x16xf32>,
        %swap3A_714 = vector.shape_cast %swap3A_713 : vector<1x1x1x16xf32> to vector<16xf32>
        %swap3A_715 = vector.shape_cast %get3A_663 : vector<16xf32> to vector<1x1x1x16xf32>
        tpu.vector_store %arg7[%swap3A_709, %swap3A_710, %swap3A_711, %swap3A_712], %swap3A_715 {add = true, strides = array<i32>} : memref<2x2x200x128xf32, #tpu.memory_space<vmem>>, vector<1x1x1x16xf32>,
        %swap3A_716 = arith.constant 1 : i32
        %swap3A_717 = arith.constant 0 : i32
        %swap3A_718 = arith.index_cast %swap3A_716 : i32 to index
        %swap3A_719 = arith.index_cast %swap3A_717 : i32 to index
        %swap3A_720 = arith.index_cast %scan3A_646 : i32 to index
        %swap3A_721 = arith.constant 48 : index
        %swap3A_722 = tpu.vector_load %arg7[%swap3A_718, %swap3A_719, %swap3A_720, %swap3A_721] {strides = array<i32>} : memref<2x2x200x128xf32, #tpu.memory_space<vmem>>, vector<1x1x1x16xf32>,
        %swap3A_723 = vector.shape_cast %swap3A_722 : vector<1x1x1x16xf32> to vector<16xf32>
        %swap3A_724 = vector.shape_cast %get3A_668 : vector<16xf32> to vector<1x1x1x16xf32>
        tpu.vector_store %arg7[%swap3A_718, %swap3A_719, %swap3A_720, %swap3A_721], %swap3A_724 {add = true, strides = array<i32>} : memref<2x2x200x128xf32, #tpu.memory_space<vmem>>, vector<1x1x1x16xf32>,
        %swap3A_725 = arith.constant 1 : i32
        %swap3A_726 = arith.constant 0 : i32
        %swap3A_727 = arith.index_cast %swap3A_725 : i32 to index
        %swap3A_728 = arith.index_cast %swap3A_726 : i32 to index
        %swap3A_729 = arith.index_cast %scan3A_646 : i32 to index
        %swap3A_730 = arith.constant 64 : index
        %swap3A_731 = tpu.vector_load %arg7[%swap3A_727, %swap3A_728, %swap3A_729, %swap3A_730] {strides = array<i32>} : memref<2x2x200x128xf32, #tpu.memory_space<vmem>>, vector<1x1x1x16xf32>,
        %swap3A_732 = vector.shape_cast %swap3A_731 : vector<1x1x1x16xf32> to vector<16xf32>
        %swap3A_733 = vector.shape_cast %get3A_673 : vector<16xf32> to vector<1x1x1x16xf32>
        tpu.vector_store %arg7[%swap3A_727, %swap3A_728, %swap3A_729, %swap3A_730], %swap3A_733 {add = true, strides = array<i32>} : memref<2x2x200x128xf32, #tpu.memory_space<vmem>>, vector<1x1x1x16xf32>,
        %swap3A_734 = arith.constant 1 : i32
        %swap3A_735 = arith.constant 0 : i32
        %swap3A_736 = arith.index_cast %swap3A_734 : i32 to index
        %swap3A_737 = arith.index_cast %swap3A_735 : i32 to index
        %swap3A_738 = arith.index_cast %scan3A_646 : i32 to index
        %swap3A_739 = arith.constant 80 : index
        %swap3A_740 = tpu.vector_load %arg7[%swap3A_736, %swap3A_737, %swap3A_738, %swap3A_739] {strides = array<i32>} : memref<2x2x200x128xf32, #tpu.memory_space<vmem>>, vector<1x1x1x16xf32>,
        %swap3A_741 = vector.shape_cast %swap3A_740 : vector<1x1x1x16xf32> to vector<16xf32>
        %swap3A_742 = vector.shape_cast %get3A_678 : vector<16xf32> to vector<1x1x1x16xf32>
        tpu.vector_store %arg7[%swap3A_736, %swap3A_737, %swap3A_738, %swap3A_739], %swap3A_742 {add = true, strides = array<i32>} : memref<2x2x200x128xf32, #tpu.memory_space<vmem>>, vector<1x1x1x16xf32>,
        %swap3A_743 = arith.constant 1 : i32
        %swap3A_744 = arith.constant 0 : i32
        %swap3A_745 = arith.index_cast %swap3A_743 : i32 to index
        %swap3A_746 = arith.index_cast %swap3A_744 : i32 to index
        %swap3A_747 = arith.index_cast %scan3A_646 : i32 to index
        %swap3A_748 = arith.constant 96 : index
        %swap3A_749 = tpu.vector_load %arg7[%swap3A_745, %swap3A_746, %swap3A_747, %swap3A_748] {strides = array<i32>} : memref<2x2x200x128xf32, #tpu.memory_space<vmem>>, vector<1x1x1x16xf32>,
        %swap3A_750 = vector.shape_cast %swap3A_749 : vector<1x1x1x16xf32> to vector<16xf32>
        %swap3A_751 = vector.shape_cast %get3A_683 : vector<16xf32> to vector<1x1x1x16xf32>
        tpu.vector_store %arg7[%swap3A_745, %swap3A_746, %swap3A_747, %swap3A_748], %swap3A_751 {add = true, strides = array<i32>} : memref<2x2x200x128xf32, #tpu.memory_space<vmem>>, vector<1x1x1x16xf32>,
        %swap3A_752 = arith.constant 1 : i32
        %swap3A_753 = arith.constant 0 : i32
        %swap3A_754 = arith.index_cast %swap3A_752 : i32 to index
        %swap3A_755 = arith.index_cast %swap3A_753 : i32 to index
        %swap3A_756 = arith.index_cast %scan3A_646 : i32 to index
        %swap3A_757 = arith.constant 112 : index
        %swap3A_758 = tpu.vector_load %arg7[%swap3A_754, %swap3A_755, %swap3A_756, %swap3A_757] {strides = array<i32>} : memref<2x2x200x128xf32, #tpu.memory_space<vmem>>, vector<1x1x1x16xf32>,
        %swap3A_759 = vector.shape_cast %swap3A_758 : vector<1x1x1x16xf32> to vector<16xf32>
        %swap3A_760 = vector.shape_cast %get3A_688 : vector<16xf32> to vector<1x1x1x16xf32>
        tpu.vector_store %arg7[%swap3A_754, %swap3A_755, %swap3A_756, %swap3A_757], %swap3A_760 {add = true, strides = array<i32>} : memref<2x2x200x128xf32, #tpu.memory_space<vmem>>, vector<1x1x1x16xf32>,
        %swap3A_761 = arith.constant 1 : i32
        %swap3A_762 = arith.constant 1 : i32
        %swap3A_763 = arith.index_cast %swap3A_761 : i32 to index
        %swap3A_764 = arith.index_cast %swap3A_762 : i32 to index
        %swap3A_765 = arith.index_cast %scan3A_646 : i32 to index
        %swap3A_766 = arith.constant 0 : index
        %swap3A_767 = tpu.vector_load %arg7[%swap3A_763, %swap3A_764, %swap3A_765, %swap3A_766] {strides = array<i32>} : memref<2x2x200x128xf32, #tpu.memory_space<vmem>>, vector<1x1x1x16xf32>,
        %swap3A_768 = vector.shape_cast %swap3A_767 : vector<1x1x1x16xf32> to vector<16xf32>
        %swap3A_769 = vector.shape_cast %get3A_653 : vector<16xf32> to vector<1x1x1x16xf32>
        tpu.vector_store %arg7[%swap3A_763, %swap3A_764, %swap3A_765, %swap3A_766], %swap3A_769 {add = true, strides = array<i32>} : memref<2x2x200x128xf32, #tpu.memory_space<vmem>>, vector<1x1x1x16xf32>,
        %swap3A_770 = arith.constant 1 : i32
        %swap3A_771 = arith.constant 1 : i32
        %swap3A_772 = arith.index_cast %swap3A_770 : i32 to index
        %swap3A_773 = arith.index_cast %swap3A_771 : i32 to index
        %swap3A_774 = arith.index_cast %scan3A_646 : i32 to index
        %swap3A_775 = arith.constant 16 : index
        %swap3A_776 = tpu.vector_load %arg7[%swap3A_772, %swap3A_773, %swap3A_774, %swap3A_775] {strides = array<i32>} : memref<2x2x200x128xf32, #tpu.memory_space<vmem>>, vector<1x1x1x16xf32>,
        %swap3A_777 = vector.shape_cast %swap3A_776 : vector<1x1x1x16xf32> to vector<16xf32>
        %swap3A_778 = vector.shape_cast %get3A_658 : vector<16xf32> to vector<1x1x1x16xf32>
        tpu.vector_store %arg7[%swap3A_772, %swap3A_773, %swap3A_774, %swap3A_775], %swap3A_778 {add = true, strides = array<i32>} : memref<2x2x200x128xf32, #tpu.memory_space<vmem>>, vector<1x1x1x16xf32>,
        %swap3A_779 = arith.constant 1 : i32
        %swap3A_780 = arith.constant 1 : i32
        %swap3A_781 = arith.index_cast %swap3A_779 : i32 to index
        %swap3A_782 = arith.index_cast %swap3A_780 : i32 to index
        %swap3A_783 = arith.index_cast %scan3A_646 : i32 to index
        %swap3A_784 = arith.constant 32 : index
        %swap3A_785 = tpu.vector_load %arg7[%swap3A_781, %swap3A_782, %swap3A_783, %swap3A_784] {strides = array<i32>} : memref<2x2x200x128xf32, #tpu.memory_space<vmem>>, vector<1x1x1x16xf32>,
        %swap3A_786 = vector.shape_cast %swap3A_785 : vector<1x1x1x16xf32> to vector<16xf32>
        %swap3A_787 = vector.shape_cast %get3A_663 : vector<16xf32> to vector<1x1x1x16xf32>
        tpu.vector_store %arg7[%swap3A_781, %swap3A_782, %swap3A_783, %swap3A_784], %swap3A_787 {add = true, strides = array<i32>} : memref<2x2x200x128xf32, #tpu.memory_space<vmem>>, vector<1x1x1x16xf32>,
        %swap3A_788 = arith.constant 1 : i32
        %swap3A_789 = arith.constant 1 : i32
        %swap3A_790 = arith.index_cast %swap3A_788 : i32 to index
        %swap3A_791 = arith.index_cast %swap3A_789 : i32 to index
        %swap3A_792 = arith.index_cast %scan3A_646 : i32 to index
        %swap3A_793 = arith.constant 48 : index
        %swap3A_794 = tpu.vector_load %arg7[%swap3A_790, %swap3A_791, %swap3A_792, %swap3A_793] {strides = array<i32>} : memref<2x2x200x128xf32, #tpu.memory_space<vmem>>, vector<1x1x1x16xf32>,
        %swap3A_795 = vector.shape_cast %swap3A_794 : vector<1x1x1x16xf32> to vector<16xf32>
        %swap3A_796 = vector.shape_cast %get3A_668 : vector<16xf32> to vector<1x1x1x16xf32>
        tpu.vector_store %arg7[%swap3A_790, %swap3A_791, %swap3A_792, %swap3A_793], %swap3A_796 {add = true, strides = array<i32>} : memref<2x2x200x128xf32, #tpu.memory_space<vmem>>, vector<1x1x1x16xf32>,
        %swap3A_797 = arith.constant 1 : i32
        %swap3A_798 = arith.constant 1 : i32
        %swap3A_799 = arith.index_cast %swap3A_797 : i32 to index
        %swap3A_800 = arith.index_cast %swap3A_798 : i32 to index
        %swap3A_801 = arith.index_cast %scan3A_646 : i32 to index
        %swap3A_802 = arith.constant 64 : index
        %swap3A_803 = tpu.vector_load %arg7[%swap3A_799, %swap3A_800, %swap3A_801, %swap3A_802] {strides = array<i32>} : memref<2x2x200x128xf32, #tpu.memory_space<vmem>>, vector<1x1x1x16xf32>,
        %swap3A_804 = vector.shape_cast %swap3A_803 : vector<1x1x1x16xf32> to vector<16xf32>
        %swap3A_805 = vector.shape_cast %get3A_673 : vector<16xf32> to vector<1x1x1x16xf32>
        tpu.vector_store %arg7[%swap3A_799, %swap3A_800, %swap3A_801, %swap3A_802], %swap3A_805 {add = true, strides = array<i32>} : memref<2x2x200x128xf32, #tpu.memory_space<vmem>>, vector<1x1x1x16xf32>,
        %swap3A_806 = arith.constant 1 : i32
        %swap3A_807 = arith.constant 1 : i32
        %swap3A_808 = arith.index_cast %swap3A_806 : i32 to index
        %swap3A_809 = arith.index_cast %swap3A_807 : i32 to index
        %swap3A_810 = arith.index_cast %scan3A_646 : i32 to index
        %swap3A_811 = arith.constant 80 : index
        %swap3A_812 = tpu.vector_load %arg7[%swap3A_808, %swap3A_809, %swap3A_810, %swap3A_811] {strides = array<i32>} : memref<2x2x200x128xf32, #tpu.memory_space<vmem>>, vector<1x1x1x16xf32>,
        %swap3A_813 = vector.shape_cast %swap3A_812 : vector<1x1x1x16xf32> to vector<16xf32>
        %swap3A_814 = vector.shape_cast %get3A_678 : vector<16xf32> to vector<1x1x1x16xf32>
        tpu.vector_store %arg7[%swap3A_808, %swap3A_809, %swap3A_810, %swap3A_811], %swap3A_814 {add = true, strides = array<i32>} : memref<2x2x200x128xf32, #tpu.memory_space<vmem>>, vector<1x1x1x16xf32>,
        %swap3A_815 = arith.constant 1 : i32
        %swap3A_816 = arith.constant 1 : i32
        %swap3A_817 = arith.index_cast %swap3A_815 : i32 to index
        %swap3A_818 = arith.index_cast %swap3A_816 : i32 to index
        %swap3A_819 = arith.index_cast %scan3A_646 : i32 to index
        %swap3A_820 = arith.constant 96 : index
        %swap3A_821 = tpu.vector_load %arg7[%swap3A_817, %swap3A_818, %swap3A_819, %swap3A_820] {strides = array<i32>} : memref<2x2x200x128xf32, #tpu.memory_space<vmem>>, vector<1x1x1x16xf32>,
        %swap3A_822 = vector.shape_cast %swap3A_821 : vector<1x1x1x16xf32> to vector<16xf32>
        %swap3A_823 = vector.shape_cast %get3A_683 : vector<16xf32> to vector<1x1x1x16xf32>
        tpu.vector_store %arg7[%swap3A_817, %swap3A_818, %swap3A_819, %swap3A_820], %swap3A_823 {add = true, strides = array<i32>} : memref<2x2x200x128xf32, #tpu.memory_space<vmem>>, vector<1x1x1x16xf32>,
        %swap3A_824 = arith.constant 1 : i32
        %swap3A_825 = arith.constant 1 : i32
        %swap3A_826 = arith.index_cast %swap3A_824 : i32 to index
        %swap3A_827 = arith.index_cast %swap3A_825 : i32 to index
        %swap3A_828 = arith.index_cast %scan3A_646 : i32 to index
        %swap3A_829 = arith.constant 112 : index
        %swap3A_830 = tpu.vector_load %arg7[%swap3A_826, %swap3A_827, %swap3A_828, %swap3A_829] {strides = array<i32>} : memref<2x2x200x128xf32, #tpu.memory_space<vmem>>, vector<1x1x1x16xf32>,
        %swap3A_831 = vector.shape_cast %swap3A_830 : vector<1x1x1x16xf32> to vector<16xf32>
        %swap3A_832 = vector.shape_cast %get3A_688 : vector<16xf32> to vector<1x1x1x16xf32>
        tpu.vector_store %arg7[%swap3A_826, %swap3A_827, %swap3A_828, %swap3A_829], %swap3A_832 {add = true, strides = array<i32>} : memref<2x2x200x128xf32, #tpu.memory_space<vmem>>, vector<1x1x1x16xf32>,
      }
      %scan3A_434 = arith.constant 200 : i32
      %add3A_435 = arith.addi %mul3A_2, %add3A_327 : i32
      %dma_start3A_436 = arith.constant 1 : i32
      %dma_start3A_437 = arith.constant 1 : i32
      %dma_start3A_438 = arith.constant 0 : i32
      %dma_start3A_439 = arith.constant 0 : i32
      %dma_start3A_440 = arith.constant 0 : i32
      %dma_start3A_441 = tpu.memref_slice %arg7[%dma_start3A_436, %dma_start3A_438, %dma_start3A_439, %dma_start3A_440] : memref<2x2x200x128xf32, #tpu.memory_space<vmem>> -> memref<1x2x200x128xf32, #tpu.memory_space<vmem>>
      %dma_start3A_442 = tpu.memref_squeeze %dma_start3A_441 : memref<1x2x200x128xf32, #tpu.memory_space<vmem>> -> memref<2x200x128xf32, #tpu.memory_space<vmem>>
      %dma_start3A_443 = arith.constant 0 : i32
      %dma_start3A_444 = arith.constant 0 : i32
      %dma_start3A_445 = arith.constant 0 : i32
      %dma_start3A_446 = tpu.memref_slice %arg5[%add3A_435, %dma_start3A_443, %dma_start3A_444, %dma_start3A_445] : memref<2048x2x200x128xf32, #tpu.memory_space<hbm>> -> memref<1x2x200x128xf32, #tpu.memory_space<hbm>>
      %dma_start3A_447 = tpu.memref_squeeze %dma_start3A_446 : memref<1x2x200x128xf32, #tpu.memory_space<hbm>> -> memref<2x200x128xf32, #tpu.memory_space<hbm>>
      %dma_start3A_448 = tpu.memref_slice %arg11[%dma_start3A_437] : memref<2x!tpu.dma_semaphore, #tpu.memory_space<semaphore_mem>> -> memref<1x!tpu.dma_semaphore, #tpu.memory_space<semaphore_mem>>
      %dma_start3A_449 = tpu.memref_squeeze %dma_start3A_448 : memref<1x!tpu.dma_semaphore, #tpu.memory_space<semaphore_mem>> -> memref<!tpu.dma_semaphore, #tpu.memory_space<semaphore_mem>>
      %dma_start3A_450 = arith.constant 0 : i32
      %dma_start3A_451 = arith.constant 0 : i32
      %dma_start3A_452 = arith.constant 0 : i32
      %dma_start3A_453 = tpu.memref_slice %arg5[%add3A_435, %dma_start3A_450, %dma_start3A_451, %dma_start3A_452] : memref<2048x2x200x128xf32, #tpu.memory_space<hbm>> -> memref<1x2x200x128xf32, #tpu.memory_space<hbm>>
      %dma_start3A_454 = tpu.memref_squeeze %dma_start3A_453 : memref<1x2x200x128xf32, #tpu.memory_space<hbm>> -> memref<2x200x128xf32, #tpu.memory_space<hbm>>
      %dma_start3A_455 = arith.constant 0 : i32
      %dma_start3A_456 = arith.constant 0 : i32
      %dma_start3A_457 = arith.constant 0 : i32
      %dma_start3A_458 = tpu.memref_slice %arg7[%dma_start3A_436, %dma_start3A_455, %dma_start3A_456, %dma_start3A_457] : memref<2x2x200x128xf32, #tpu.memory_space<vmem>> -> memref<1x2x200x128xf32, #tpu.memory_space<vmem>>
      %dma_start3A_459 = tpu.memref_squeeze %dma_start3A_458 : memref<1x2x200x128xf32, #tpu.memory_space<vmem>> -> memref<2x200x128xf32, #tpu.memory_space<vmem>>
      tpu.enqueue_dma source(%dma_start3A_459 : memref<2x200x128xf32, #tpu.memory_space<vmem>>) target(%dma_start3A_454 : memref<2x200x128xf32, #tpu.memory_space<hbm>>) target_semaphore(%dma_start3A_449 : memref<!tpu.dma_semaphore, #tpu.memory_space<semaphore_mem>>)
    }
    %scan3A_134 = arith.constant 32 : i32
    %dma_wait3A_135 = arith.constant 1 : i32
    %dma_wait3A_136 = arith.constant 1 : i32
    %dma_wait3A_137 = arith.constant 0 : i32
    %dma_wait3A_138 = arith.constant 0 : i32
    %dma_wait3A_139 = arith.constant 0 : i32
    %dma_wait3A_140 = tpu.memref_slice %arg7[%dma_wait3A_135, %dma_wait3A_137, %dma_wait3A_138, %dma_wait3A_139] : memref<2x2x200x128xf32, #tpu.memory_space<vmem>> -> memref<1x2x200x128xf32, #tpu.memory_space<vmem>>
    %dma_wait3A_141 = tpu.memref_squeeze %dma_wait3A_140 : memref<1x2x200x128xf32, #tpu.memory_space<vmem>> -> memref<2x200x128xf32, #tpu.memory_space<vmem>>
    %dma_wait3A_142 = arith.constant 0 : i32
    %dma_wait3A_143 = arith.constant 0 : i32
    %dma_wait3A_144 = arith.constant 0 : i32
    %dma_wait3A_145 = tpu.memref_slice %arg5[%mul3A_2, %dma_wait3A_142, %dma_wait3A_143, %dma_wait3A_144] : memref<2048x2x200x128xf32, #tpu.memory_space<hbm>> -> memref<1x2x200x128xf32, #tpu.memory_space<hbm>>
    %dma_wait3A_146 = tpu.memref_squeeze %dma_wait3A_145 : memref<1x2x200x128xf32, #tpu.memory_space<hbm>> -> memref<2x200x128xf32, #tpu.memory_space<hbm>>
    %dma_wait3A_147 = tpu.memref_slice %arg11[%dma_wait3A_136] : memref<2x!tpu.dma_semaphore, #tpu.memory_space<semaphore_mem>> -> memref<1x!tpu.dma_semaphore, #tpu.memory_space<semaphore_mem>>
    %dma_wait3A_148 = tpu.memref_squeeze %dma_wait3A_147 : memref<1x!tpu.dma_semaphore, #tpu.memory_space<semaphore_mem>> -> memref<!tpu.dma_semaphore, #tpu.memory_space<semaphore_mem>>
    %dma_wait3A_149 = arith.constant 0 : i32
    %dma_wait3A_150 = arith.constant 0 : i32
    %dma_wait3A_151 = arith.constant 0 : i32
    %dma_wait3A_152 = tpu.memref_slice %arg5[%mul3A_2, %dma_wait3A_149, %dma_wait3A_150, %dma_wait3A_151] : memref<2048x2x200x128xf32, #tpu.memory_space<hbm>> -> memref<1x2x200x128xf32, #tpu.memory_space<hbm>>
    %dma_wait3A_153 = tpu.memref_squeeze %dma_wait3A_152 : memref<1x2x200x128xf32, #tpu.memory_space<hbm>> -> memref<2x200x128xf32, #tpu.memory_space<hbm>>
    %dma_wait3A_154 = arith.constant 0 : i32
    %dma_wait3A_155 = arith.constant 0 : i32
    %dma_wait3A_156 = arith.constant 0 : i32
    %dma_wait3A_157 = tpu.memref_slice %arg7[%dma_wait3A_135, %dma_wait3A_154, %dma_wait3A_155, %dma_wait3A_156] : memref<2x2x200x128xf32, #tpu.memory_space<vmem>> -> memref<1x2x200x128xf32, #tpu.memory_space<vmem>>
    %dma_wait3A_158 = tpu.memref_squeeze %dma_wait3A_157 : memref<1x2x200x128xf32, #tpu.memory_space<vmem>> -> memref<2x200x128xf32, #tpu.memory_space<vmem>>
    tpu.wait_dma2 semaphore(%dma_wait3A_148 : memref<!tpu.dma_semaphore, #tpu.memory_space<semaphore_mem>>) src(%dma_wait3A_158 : memref<2x200x128xf32, #tpu.memory_space<vmem>>) dst(%dma_wait3A_153 : memref<2x200x128xf32, #tpu.memory_space<hbm>>)
    %dma_wait3A_159 = arith.constant 0 : i32
    %dma_wait3A_160 = arith.constant 0 : i32
    %dma_wait3A_161 = arith.constant 0 : i32
    %dma_wait3A_162 = arith.constant 0 : i32
    %dma_wait3A_163 = tpu.memref_slice %arg6[%dma_wait3A_159, %dma_wait3A_161, %dma_wait3A_162] : memref<2x4x100xi32, #tpu.memory_space<vmem>> -> memref<1x4x100xi32, #tpu.memory_space<vmem>>
    %dma_wait3A_164 = tpu.memref_squeeze %dma_wait3A_163 : memref<1x4x100xi32, #tpu.memory_space<vmem>> -> memref<4x100xi32, #tpu.memory_space<vmem>>
    %dma_wait3A_165 = arith.constant 0 : i32
    %dma_wait3A_166 = tpu.memref_slice %arg2[%mul3A_4, %dma_wait3A_165] : memref<8192x100xi32, #tpu.memory_space<hbm>> -> memref<4x100xi32, #tpu.memory_space<hbm>>
    %dma_wait3A_167 = tpu.memref_slice %arg9[%dma_wait3A_160] : memref<2x!tpu.dma_semaphore, #tpu.memory_space<semaphore_mem>> -> memref<1x!tpu.dma_semaphore, #tpu.memory_space<semaphore_mem>>
    %dma_wait3A_168 = tpu.memref_squeeze %dma_wait3A_167 : memref<1x!tpu.dma_semaphore, #tpu.memory_space<semaphore_mem>> -> memref<!tpu.dma_semaphore, #tpu.memory_space<semaphore_mem>>
    %dma_wait3A_169 = arith.constant 0 : i32
    %dma_wait3A_170 = arith.constant 0 : i32
    %dma_wait3A_171 = tpu.memref_slice %arg6[%dma_wait3A_159, %dma_wait3A_169, %dma_wait3A_170] : memref<2x4x100xi32, #tpu.memory_space<vmem>> -> memref<1x4x100xi32, #tpu.memory_space<vmem>>
    %dma_wait3A_172 = tpu.memref_squeeze %dma_wait3A_171 : memref<1x4x100xi32, #tpu.memory_space<vmem>> -> memref<4x100xi32, #tpu.memory_space<vmem>>
    %dma_wait3A_173 = arith.constant 0 : i32
    %dma_wait3A_174 = tpu.memref_slice %arg2[%mul3A_4, %dma_wait3A_173] : memref<8192x100xi32, #tpu.memory_space<hbm>> -> memref<4x100xi32, #tpu.memory_space<hbm>>
    tpu.wait_dma2 semaphore(%dma_wait3A_168 : memref<!tpu.dma_semaphore, #tpu.memory_space<semaphore_mem>>) src(%dma_wait3A_174 : memref<4x100xi32, #tpu.memory_space<hbm>>) dst(%dma_wait3A_172 : memref<4x100xi32, #tpu.memory_space<vmem>>)
    %dma_wait3A_175 = arith.constant 1 : i32
    %dma_wait3A_176 = arith.constant 1 : i32
    %dma_wait3A_177 = arith.constant 0 : i32
    %dma_wait3A_178 = arith.constant 0 : i32
    %dma_wait3A_179 = tpu.memref_slice %arg6[%dma_wait3A_175, %dma_wait3A_177, %dma_wait3A_178] : memref<2x4x100xi32, #tpu.memory_space<vmem>> -> memref<1x4x100xi32, #tpu.memory_space<vmem>>
    %dma_wait3A_180 = tpu.memref_squeeze %dma_wait3A_179 : memref<1x4x100xi32, #tpu.memory_space<vmem>> -> memref<4x100xi32, #tpu.memory_space<vmem>>
    %dma_wait3A_181 = arith.constant 0 : i32
    %dma_wait3A_182 = tpu.memref_slice %arg2[%mul3A_4, %dma_wait3A_181] : memref<8192x100xi32, #tpu.memory_space<hbm>> -> memref<4x100xi32, #tpu.memory_space<hbm>>
    %dma_wait3A_183 = tpu.memref_slice %arg9[%dma_wait3A_176] : memref<2x!tpu.dma_semaphore, #tpu.memory_space<semaphore_mem>> -> memref<1x!tpu.dma_semaphore, #tpu.memory_space<semaphore_mem>>
    %dma_wait3A_184 = tpu.memref_squeeze %dma_wait3A_183 : memref<1x!tpu.dma_semaphore, #tpu.memory_space<semaphore_mem>> -> memref<!tpu.dma_semaphore, #tpu.memory_space<semaphore_mem>>
    %dma_wait3A_185 = arith.constant 0 : i32
    %dma_wait3A_186 = arith.constant 0 : i32
    %dma_wait3A_187 = tpu.memref_slice %arg6[%dma_wait3A_175, %dma_wait3A_185, %dma_wait3A_186] : memref<2x4x100xi32, #tpu.memory_space<vmem>> -> memref<1x4x100xi32, #tpu.memory_space<vmem>>
    %dma_wait3A_188 = tpu.memref_squeeze %dma_wait3A_187 : memref<1x4x100xi32, #tpu.memory_space<vmem>> -> memref<4x100xi32, #tpu.memory_space<vmem>>
    %dma_wait3A_189 = arith.constant 0 : i32
    %dma_wait3A_190 = tpu.memref_slice %arg2[%mul3A_4, %dma_wait3A_189] : memref<8192x100xi32, #tpu.memory_space<hbm>> -> memref<4x100xi32, #tpu.memory_space<hbm>>
    tpu.wait_dma2 semaphore(%dma_wait3A_184 : memref<!tpu.dma_semaphore, #tpu.memory_space<semaphore_mem>>) src(%dma_wait3A_190 : memref<4x100xi32, #tpu.memory_space<hbm>>) dst(%dma_wait3A_188 : memref<4x100xi32, #tpu.memory_space<vmem>>)
    return
  }
}

</mosaic_0001>

<sc_bundles>
// kernel: _sc_embed.3.cloned.1.call-start
scs
__scs_entry_jumppad:
0x0: {  	(pc) =	sbr.rel $0x88, $3  }
0x1: {  	(tag) =	ssettag $0x0;
	lr =	simm.s32 $0x1  }
0x2: {  	[smem:$0x3F9E] =	sst lr;
	_ =	strace $0xD0000000  }
0x3: {  	_ = 	snop  }
0x4: {  	_ = 	snop  }
0x5: {  	_ = 	snop  }
0x6: {  	_ = 	snop  }
0x7: {  	_ = 	snop  }
__scs_overlays_trampoline_lowered:
0x8: {  	[smem:$0x3FAD] =	sst s0  }
0x9: {  	[smem:$0x3FAE] =	sst s1  }
0xa: {  	[smem:$0x3FAF] =	sst s2  }
0xb: {  	[smem:$0x3FB0] =	sst s3  }
0xc: {  	[smem:$0x3FB1] =	sst s4  }
0xd: {  	[smem:$0x3FB2] =	sst s5  }
0xe: {  	[smem:$0x3FB3] =	sst s6  }
0xf: {  	[smem:$0x3FB4] =	sst s7  }
0x10: {  	[smem:$0x3FB5] =	sst s8  }
0x11: {  	[smem:$0x3FB6] =	sst s9;
	s0 =	simm.s32 @!p0 $0x0  }
0x12: {  	s1 =	sld [smem:$0x3F9C];
	s0 =	simm.s32 @p0 $0x1  }
0x13: {  	[smem:$0x3FB7] =	sst s0;
	s0 =	simm.s32 @!p1 $0x0  }
0x14: {  	s2 =	sld [smem:$0x3F9B];
	s0 =	simm.s32 @p1 $0x1  }
0x15: {  	[smem:$0x3FB8] =	sst s0;
	s0 =	simm.s32 @!p2 $0x0  }
0x16: {  	s3 =	sld [smem:$0x3FDB];
	s0 =	simm.s32 @p2 $0x1  }
0x17: {  	s4 =	simm.s32 $0x1BF5;
	[smem:$0x3FBA] =	sst s0  }
0x18: {  	s0 =	sld [smem:$0x3F9D];
	_ =	swait.ge [sflag:s4], $0x0  }
0x19: {  	s7 =	sld [smem:$0x3F9E]  }
0x1a: {  	s8 =	sadd.s32 $0xFFFFE003, lr  }
0x1b: {  	s9 =	sadd.s32 $0xFFFFFEF7, lr;
	s5 =	simm.s32 $0xFFFFFFFF;
	p2 =	slt.u32 s8, $0xFFFFF086  }
0x1c: {  	p1 =	slt.u32 s9, $0xF7A;
	s5 =	simm.s32 @!p2 $0x0  }
0x1d: {  	s5 =	simm.s32 @p1 $0x1;
	p0 =	seq.s32 s7, s2  }
0x1e: {  	s7 =	smul.u32 @!p0 $0xF7A, s2;
	p2 =	seq.s32 @!p0 s5, $0x0  }
0x1f: {  	s9 =	smul.u32 $0xF7A, s1;
	s8 =	simm.s32 @!p0 $0x1BF5;
	p2 =	por !p2, p0  }
0x20: {  	[sflag:s8] =	ssyncset.s32 @!p0 $0xFFFFF086;
	s6 =	sadd.s32 @!p0 s3, s7;
	s7 =	simm.s32 @!p0 $0x108  }
0x21: {  	s3 =	sadd.s32 s3, s9;
	s6 =	sadd.s32 @!p0 $0x88, s6;
	s7 =	simm.s32 @p2 $0x1082  }
0x22: {  	[simem:s7], [sflag:s8] =	dma.local @!p0 [hbm:s6], $0xF7A  }
0x23: {  	s9 =	sor.u32 $0xD0000000, s2;
	s6 =	simm.s32 $0x108;
	_ =	swait.ge @!p0 [sflag:s8], $0x0  }
0x24: {  	s3 =	sadd.s32 $0x88, s3;
	s6 =	simm.s32 @!p1 $0x1082;
	[sflag:s4] =	ssyncset.s32 $0xFFFFF086  }
0x25: {  	[simem:s6], [sflag:s4] =	dma.local [hbm:s3], $0xF7A  }
0x26: {  	[smem:$0x3F9E] =	sst s1;
	(tag) =	ssettag s2;
	_ =	strace s9  }
0x27: {  	s1 =	sld [smem:$0x3FAE]  }
0x28: {  	s2 =	sld [smem:$0x3FAF]  }
0x29: {  	s4 =	sld [smem:$0x3FB1]  }
0x2a: {  	p0 =	seq.s32 s5, $0x0;
	s5 =	sld [smem:$0x3FB2]  }
0x2b: {  	s6 =	sld [smem:$0x3FB3]  }
0x2c: {  	s7 =	sld [smem:$0x3FB4]  }
0x2d: {  	s3 =	simm.s32 $0x108;
	s8 =	sld [smem:$0x3FB5]  }
0x2e: {  	s3 =	simm.s32 @!p0 $0x1082;
	s9 =	sld [smem:$0x3FB6]  }
0x2f: {  	lr =	sadd.s32 s0, s3;
	s0 =	sld [smem:$0x3FAD]  }
0x30: {  	s3 =	sld [smem:$0x3FB0]  }
0x31: {  	[smem:$0x3FB9] =	sst s10  }
0x32: {  	s10 =	sld [smem:$0x3FB7];
	_ =	sdelay $0x3  }
0x33: {  	p0 =	seq.s32 s10, $0x1;
	s10 =	sld [smem:$0x3FB9];
	_ =	sdelay $0x3  }
0x34: {  	[smem:$0x3FB9] =	sst s10  }
0x35: {  	s10 =	sld [smem:$0x3FB8];
	_ =	sdelay $0x3  }
0x36: {  	p1 =	seq.s32 s10, $0x1;
	s10 =	sld [smem:$0x3FB9];
	_ =	sdelay $0x3  }
0x37: {  	[smem:$0x3FB9] =	sst s10  }
0x38: {  	s10 =	sld [smem:$0x3FBA]  }
0x39: {  	_ = 	snop;
	(pc) =	sbr.ind lr, $3  }
0x3a: {  	_ = 	snop  }
0x3b: {  	_ = 	snop  }
0x3c: {  	p2 =	seq.s32 s10, $0x1;
	s10 =	sld [smem:$0x3FB9]  }
0x3d: {  	_ =	shalt  }
0x3e: {  	_ =	shalt  }
0x3f: {  	_ =	shalt  }
0x40: {  	_ =	shalt  }
0x41: {  	_ =	shalt  }
0x42: {  	_ =	shalt  }
0x43: {  	_ =	shalt  }
0x44: {  	_ =	shalt  }
0x45: {  	_ =	shalt  }
0x46: {  	_ =	shalt  }
0x47: {  	_ =	shalt  }
0x48: {  	_ =	shalt  }
0x49: {  	_ =	shalt  }
0x4a: {  	_ =	shalt  }
0x4b: {  	_ =	shalt  }
0x4c: {  	_ =	shalt  }
0x4d: {  	_ =	shalt  }
0x4e: {  	_ =	shalt  }
0x4f: {  	_ =	shalt  }
0x50: {  	_ =	shalt  }
0x51: {  	_ =	shalt  }
0x52: {  	_ =	shalt  }
0x53: {  	_ =	shalt  }
0x54: {  	_ =	shalt  }
0x55: {  	_ =	shalt  }
0x56: {  	_ =	shalt  }
0x57: {  	_ =	shalt  }
0x58: {  	_ =	shalt  }
0x59: {  	_ =	shalt  }
0x5a: {  	_ =	shalt  }
0x5b: {  	_ =	shalt  }
0x5c: {  	_ =	shalt  }
0x5d: {  	_ =	shalt  }
0x5e: {  	_ =	shalt  }
0x5f: {  	_ =	shalt  }
0x60: {  	_ =	shalt  }
0x61: {  	_ =	shalt  }
0x62: {  	_ =	shalt  }
0x63: {  	_ =	shalt  }
0x64: {  	_ =	shalt  }
0x65: {  	_ =	shalt  }
0x66: {  	_ =	shalt  }
0x67: {  	_ =	shalt  }
0x68: {  	_ =	shalt  }
0x69: {  	_ =	shalt  }
0x6a: {  	_ =	shalt  }
0x6b: {  	_ =	shalt  }
0x6c: {  	_ =	shalt  }
0x6d: {  	_ =	shalt  }
0x6e: {  	_ =	shalt  }
0x6f: {  	_ =	shalt  }
0x70: {  	_ =	shalt  }
0x71: {  	_ =	shalt  }
0x72: {  	_ =	shalt  }
0x73: {  	_ =	shalt  }
0x74: {  	_ =	shalt  }
0x75: {  	_ =	shalt  }
0x76: {  	_ =	shalt  }
0x77: {  	_ =	shalt  }
0x78: {  	_ =	shalt  }
0x79: {  	_ =	shalt  }
0x7a: {  	_ =	shalt  }
0x7b: {  	_ =	shalt  }
0x7c: {  	_ =	shalt  }
0x7d: {  	_ =	shalt  }
0x7e: {  	_ =	shalt  }
0x7f: {  	_ =	shalt  }
0x80: {  	_ =	shalt  }
0x81: {  	_ =	shalt  }
0x82: {  	_ =	shalt  }
0x83: {  	_ =	shalt  }
0x84: {  	_ =	shalt  }
0x85: {  	_ =	shalt  }
0x86: {  	_ =	shalt  }
0x87: {  	_ =	shalt  }
.Lfunc_end0:
.L_simem_size_0:
called_computation_lowered:
.L_overlay_start_0:
0x88: {  	s2 =	sld [smem:$0x3FD9]  }
0x89: {  	s3 =	sld [smem:$0x3FFE];
	_ =	sdelay $0x1  }
0x8a: {  	s1 =	srdreg.scid  }
0x8b: {  	s0 =	sand.u32 $0x1, s1  }
0x8c: {  	s17 =	sshll.u32 s0, $0xA;
	s2 =	sadd.s32 s3, s2  }
0x8d: {  	s2 =	sadd.s32 s2, s17  }
0x8e: {  	[smem:$0x3FC5] =	sst s2  }
0x8f: {  	_ = 	snop  }
0x90: {  	s2 =	sld [smem:$0x3FC8]  }
0x91: {  	s18 =	sld [smem:$0x3FC7]  }
0x92: {  	s4 =	sld [smem:$0x3FD0];
	(tm) =	ssettm $0x1  }
0x93: {  	s5 =	sld [smem:$0x3FFB];
	_ =	sdelay $0x3  }
0x94: {  	_ =	strace s5  }
0x95: {  	s5 =	sld [smem:$0x3FFC];
	_ =	sdelay $0x3  }
0x96: {  	_ =	strace s5  }
0x97: {  	s5 =	sld [smem:$0x3FFD];
	_ =	sdelay $0x3  }
0x98: {  	_ =	strace s5  }
0x99: {  	_ =	strace $0x8FFFFFFF  }
0x9a: {  	s19 =	sld [smem:$0x3FDB];
	_ =	sdelay $0x1  }
0x9b: {  	s6 =	simm.s32 $_scs_section_size  }
0x9c: {  	s7 =	simm.s32 $_size__tile_overlayer_lowered;
	s8 =	simm.s32 $_tile_overlayer_lowered  }
0x9d: {  	s22 =	simm.s32 $0x1BFF;
	s21 =	sshll.u32 s8, $0x1;
	s5 =	sadd.s32 s6, s19  }
0x9e: {  	s9 =	simm.s32 $0x0;
	s20 =	sshll.u32 s7, $0x1;
	s7 =	sadd.s32 s21, s5  }
0x9f: {  	[timem:s9], [sflag:s22] =	dma.local [hbm:s7], s20  }
0xa0: {  	_ =	swait.ge [sflag:s22], s20  }
0xa1: {  	s6 =	ssub.s32 $0x0, s20;
	[sflag:s22] =	ssyncset.done $0x0  }
0xa2: {  	[sflag:s22] =	ssyncadd.s32 s6;
	_ =	sdelay $0x1  }
0xa3: {  	s23 =	simm.s32 $0x1B8B  }
0xa4: {  	_ =	swait.ge [sflag:s23], $0x1  }
0xa5: {  	[sflag:s23] =	ssyncset.done $0x0  }
0xa6: {  	s25 =	simm.s32 $0x1B8E;
	s24 =	sld [smem:$0x3FFE];
	[sflag:s23] =	ssyncadd.s32 $0xFFFFFFFF  }
0xa7: {  	s26 =	simm.s32 $execute0_lowered;
	[smem:$0x3FD2] =	sst s25  }
0xa8: {  	s7 =	sshll.u32 s26, $0x1;
	_ =	strace $0x80000046;
	[dreg:$0x1] =	wrdreg $0xFFFFFFFF  }
0xa9: {  	s28 =	simm.s32 $_size_execute0_lowered;
	s5 =	sadd.s32 s5, s7;
	[dreg:$0x0] =	wrdreg $0x0  }
0xaa: {  	s7 =	sshll.u32 s28, $0x1;
	[dreg:$0x2] =	wrdreg s5  }
0xab: {  	[dreg:$0x3] =	wrdreg s7  }
0xac: {  	[dreg:$0x4] =	wrdreg $0xC0  }
0xad: {  	_ =	task [dreg:s9], $0x5FFFF  }
0xae: {  	[dreg:$0x1] =	wrdreg $0xFFFFFFFF  }
0xaf: {  	[dreg:$0x0] =	wrdreg $0x60  }
0xb0: {  	[dreg:$0x2] =	wrdreg s24  }
0xb1: {  	[dreg:$0x3] =	wrdreg s2  }
0xb2: {  	[dreg:$0x4] =	wrdreg s18  }
0xb3: {  	[dreg:$0x5] =	wrdreg s4  }
0xb4: {  	[dreg:$0x6] =	wrdreg $0x9  }
0xb5: {  	_ =	task.clear_ibuf [dreg:s9], $0x7FFFF;
	_ =	strace $0x90000046  }
0xb6: {  	s29 =	simm.s32 $0x9;
	_ =	strace $0x80000048  }
0xb7: {  	_ =	swait.ge [sflag:s29], $0x1  }
0xb8: {  	[sflag:s29] =	ssyncadd.s32 $0xFFFFFFFF  }
0xb9: {  	_ =	strace $0x90000048  }
0xba: {  	_ =	sfence  }
0xbb: {  	s30 =	sld [smem:$0x0];
	_ =	sdelay $0x2  }
0xbc: {  	s31 =	sshll.u32 s1, $0xD;
	s1 =	sshrl.u32 s1, $0x2  }
0xbd: {  	s3 =	sand.u32 $0x4000, s31;
	s1 =	sadd.s32 s1, s30  }
0xbe: {  	s0 =	sor.u32 s3, s0;
	s1 =	sshll.u32 s1, $0x11  }
0xbf: {  	s0 =	sor.u32 s1, s0  }
0xc0: {  	s0 =	sadd.s32 $0x8F2B, s0  }
0xc1: {  	[sflag:s0] =	ssyncadd.remote.s32 $0x1  }
0xc2: {  	_ =	sfence.sel $0xFFFF  }
0xc3: {  	[dreg:$0x0] =	wrdreg $0xFFFFFFFF;
	(pc) =	sbr.abs _section_cstart, $3  }
0xc4: {  	[dreg:$0x1] =	wrdreg $0xFFFFFFFF  }
0xc5: {  	_ =	task.clear_ibuf [dreg:s9], $0x2FFFF;
	_ =	strace $0x9FFFFFFF  }
0xc6: {  	(tm) =	ssettm $0x7FFFFFFF  }
0xc7: {  	_ =	shalt  }
tec
execute0_lowered:
.L_overlay_start_1:
0x0: {  	(tag) =	ssettag $0x1  }
0x1: {  	s0 =	rddreg [dreg:$0x0]  }
0x2: {  	s1 =	rddreg [dreg:$0x1]  }
0x3: {  	s4 =	rddreg [dreg:$0x3];
	s2 =	srdreg.scid  }
0x4: {  	s3 =	stileid.u32;
	s5 =	simm.s32 $0x0;
	s14 =	simm.s32 $0x7  }
0x5: {  	s15 =	simm.s32 $0x200;
	s16 =	simm.s32 $0x1;
	s17 =	simm.s32 $0x64  }
0x6: {  	s18 =	simm.s32 $0x400;
	s28 =	simm.s32 $0x280;
	s29 =	simm.s32 $0xFE00  }
0x7: {  	s30 =	simm.s32 $0x300;
	s31 =	simm.s32 $0x13000;
	s13 =	simm.s32 $0x5  }
0x8: {  	s19 =	simm.s32 $0x4;
	s20 =	simm.s32 $0x6;
	s21 =	simm.s32 $0x0  }
0x9: {  	s2 =	sand.u32 $0x1, s2;
	s3 =	sshll.u32 s3, $0x1;
	[smem:$0x7FF] =	sst s5  }
0xa: {  	s6 =	sadd.s32 $0x400, s0;
	s7 =	ssub.s32 $0x2, s2;
	s2 =	sor.u32 s2, s3  }
0xb: {  	_ =	strace $0x80000047;
	s24 =	sshrl.u32 s7, $0x1;
	s3 =	sshll.u32 s2, $0xC  }
0xc: {  	s8 =	sshll.u32 s2, $0x6;
	s2 =	simm.s32 $0x16200;
	s0 =	ssub.s32 s7, s24  }
0xd: {  	s25 =	sadd.s32 s6, s3;
	s10 =	sor.u32 $0x80, s3;
	s3 =	simm.s32 $0x3  }
0xe: {  	s26 =	sadd.s32 $0x40, s25;
	[dreg:$0x5] =	wrdreg s25;
	s11 =	sadd.s32 $0xC0, s25  }
0xf: {  	s0 =	smax.u32 s0, $0x1;
	s25 =	simm.s32 $0x2;
	[dreg:$0x6] =	wrdreg s26  }
0x10: {  	[dreg:$0x7] =	wrdreg s0;
	s26 =	simm.s32 $0xCC00;
	s0 =	simm.s32 $0x380  }
.LBB2_1:
0x11: {  	s7 =	rddreg [dreg:$0x2];
	s9 =	simm.s32 $0x19400  }
0x12: {  	[tilespmem:s9], [sflag:$0x7] =	stream.linear.gather [hbm4b:s7+s5], $0x6400, $0x38;
	[tilespmem:$0x1F800] =	vst v63  }
0x13: {  	_ =	swait.ge [sflag:s14], $0x6400  }
0x14: {  	[sflag:s14] =	ssyncset.done $0x0  }
0x15: {  	s12 =	rddreg [dreg:$0x5];
	[sflag:s14] =	ssyncadd.s32 $0xFFFF9C00  }
0x16: {  	[tilespmem:s5], [sflag:$0x1] =	stream.linear.gather [hbm4b:s12+s5], $0x200, $0x38;
	[tilespmem:$0x1F800] =	vst v63  }
0x17: {  	s22 =	rddreg [dreg:$0x6]  }
0x18: {  	[tilespmem:s15], [sflag:$0x2] =	stream.linear.gather [hbm4b:s22+s5], $0x200, $0x38;
	[tilespmem:$0x1F800] =	vst v63  }
0x19: {  	_ =	swait.ge [sflag:s16], $0x200  }
0x1a: {  	[sflag:s16] =	ssyncset.done $0x0  }
0x1b: {  	[sflag:s16] =	ssyncadd.s32 $0xFFFFFE00  }
0x1c: {  	[tilespmem:s18], [sflag:$0x3] =	stream.indirect.gather [hbm4b:s1+s17], $0x80, s5, s17, $0xb8;
	[tilespmem:$0x1F800] =	vst v63  }
0x1d: {  	s23 =	simm.s32 $0x80;
	s24 =	simm.s32 $0x3600  }
0x1e: {  	[tilespmem:s24], [sflag:$0x3] =	stream.indirect.gather [hbm4b:s1+s17], $0x80, s23, s17, $0xb8;
	[tilespmem:$0x1F800] =	vst v63  }
0x1f: {  	s12 =	simm.s32 $0x100;
	s22 =	simm.s32 $0x6800  }
0x20: {  	[tilespmem:s22], [sflag:$0x3] =	stream.indirect.gather [hbm4b:s1+s17], $0x80, s12, s17, $0xb8;
	[tilespmem:$0x1F800] =	vst v63  }
0x21: {  	s23 =	simm.s32 $0x180;
	s24 =	simm.s32 $0x9A00;
	s22 =	simm.s32 $0x0  }
0x22: {  	[tilespmem:s24], [sflag:$0x3] =	stream.indirect.gather [hbm4b:s1+s17], $0x80, s23, s17, $0xb8;
	[tilespmem:$0x1F800] =	vst v63  }
.LBB2_2:
0x23: {  	p0 =	seq.s32 s22, $0x0  }
0x24: {  	s9 =	simm.s32 @!p0 $0x6  }
0x25: {  	_ =	swait.ge @!p0 [sflag:s9], $0xC800  }
0x26: {  	[sflag:s9] =	ssyncset.done @!p0 $0x0  }
0x27: {  	[sflag:s9] =	ssyncadd.s32 @!p0 $0xFFFF3800  }
0x28: {  	_ =	swait.ge [sflag:s25], $0x200  }
0x29: {  	[sflag:s25] =	ssyncset.done $0x0  }
0x2a: {  	[sflag:s25] =	ssyncadd.s32 $0xFFFFFE00  }
0x2b: {  	[tilespmem:s26], [sflag:$0x4] =	stream.indirect.gather [hbm4b:s1+s17], $0x80, s15, s17, $0xb8;
	[tilespmem:$0x1F800] =	vst v63  }
0x2c: {  	_ = 	snop  }
0x2d: {  	[tilespmem:s29], [sflag:$0x4] =	stream.indirect.gather [hbm4b:s1+s17], $0x80, s28, s17, $0xb8;
	[tilespmem:$0x1F800] =	vst v63  }
0x2e: {  	_ = 	snop  }
0x2f: {  	[tilespmem:s31], [sflag:$0x4] =	stream.indirect.gather [hbm4b:s1+s17], $0x80, s30, s17, $0xb8;
	[tilespmem:$0x1F800] =	vst v63  }
0x30: {  	_ = 	snop  }
0x31: {  	[tilespmem:s2], [sflag:$0x4] =	stream.indirect.gather [hbm4b:s1+s17], $0x80, s0, s17, $0xb8;
	[tilespmem:$0x1F800] =	vst v63  }
0x32: {  	_ =	swait.ge [sflag:s3], $0x3200  }
0x33: {  	[sflag:s3] =	ssyncset.done $0x0  }
0x34: {  	[sflag:s3] =	ssyncadd.s32 $0xFFFFCE00  }
0x35: {  	_ =	swait.ge [sflag:s3], $0x3200  }
0x36: {  	[sflag:s3] =	ssyncset.done $0x0  }
0x37: {  	[sflag:s3] =	ssyncadd.s32 $0xFFFFCE00  }
0x38: {  	s23 =	sshll.u32 s22, $0x1;
	_ =	swait.ge [sflag:s3], $0x3200  }
0x39: {  	s12 =	smin.u32 s23, $0x3D;
	[sflag:s3] =	ssyncset.done $0x0  }
0x3a: {  	s9 =	sshll.u32 s12, $0x6;
	[sflag:s3] =	ssyncadd.s32 $0xFFFFCE00  }
0x3b: {  	s12 =	sadd.s32 s9, s10;
	s9 =	sand.u32 $0x40, s9;
	_ =	swait.ge [sflag:s3], $0x3200  }
0x3c: {  	s12 =	sand.u32 $0x3FF80, s12;
	s9 =	sadd.s32 s6, s9;
	[sflag:s3] =	ssyncset.done $0x0  }
0x3d: {  	s24 =	simm.s32 $0x0;
	s9 =	sadd.s32 s12, s9;
	[sflag:s3] =	ssyncadd.s32 $0xFFFFCE00  }
0x3e: {  	[tilespmem:s24], [sflag:$0x1] =	stream.linear.gather [hbm4b:s9+s24], $0x200, $0x38;
	[tilespmem:$0x1F800] =	vst v63  }
0x3f: {  	s24 =	simm.s32 $0x0  }
0x40: {  	v1 =	vld [tilespmem:s24+$0x194F0]  }
0x41: {  	v2 =	vld [tilespmem:s24+$0x19400]  }
0x42: {  	v3 =	vld [tilespmem:s24+$0x19410]  }
0x43: {  	v4 =	vld [tilespmem:s24+$0x19420]  }
0x44: {  	v5 =	vld [tilespmem:s24+$0x19430]  }
0x45: {  	v6 =	vld [tilespmem:s24+$0x19440]  }
0x46: {  	v7 =	vld [tilespmem:s24+$0x19450]  }
0x47: {  	v8 =	vld [tilespmem:s24+$0x19460]  }
0x48: {  	v9 =	vld [tilespmem:s24+$0x19470]  }
0x49: {  	v10 =	vld [tilespmem:s24+$0x19480]  }
0x4a: {  	v11 =	vld [tilespmem:s24+$0x19490]  }
0x4b: {  	v12 =	vld [tilespmem:s24+$0x194A0]  }
0x4c: {  	v13 =	vld [tilespmem:s24+$0x194B0]  }
0x4d: {  	v14 =	vld [tilespmem:s24+$0x194C0]  }
0x4e: {  	v15 =	vld [tilespmem:s24+$0x194D0]  }
0x4f: {  	v0 =	vld [tilespmem:s24+$0x194E0]  }
0x50: {  	[tilespmem:s24+$0x68F0] =	vst.add.f32.msk $0xffff, v1  }
0x51: {  	[tilespmem:s24+$0x400] =	vst.add.f32.msk $0xffff, v2  }
0x52: {  	[tilespmem:s24+$0x410] =	vst.add.f32.msk $0xffff, v3  }
0x53: {  	[tilespmem:s24+$0x420] =	vst.add.f32.msk $0xffff, v4  }
0x54: {  	[tilespmem:s24+$0x430] =	vst.add.f32.msk $0xffff, v5  }
0x55: {  	[tilespmem:s24+$0x440] =	vst.add.f32.msk $0xffff, v6  }
0x56: {  	[tilespmem:s24+$0x450] =	vst.add.f32.msk $0xffff, v7  }
0x57: {  	[tilespmem:s24+$0x460] =	vst.add.f32.msk $0xffff, v8  }
0x58: {  	[tilespmem:s24+$0x470] =	vst.add.f32.msk $0xffff, v9  }
0x59: {  	[tilespmem:s24+$0x6800] =	vst.add.f32.msk $0xffff, v2  }
0x5a: {  	[tilespmem:s24+$0x6810] =	vst.add.f32.msk $0xffff, v3  }
0x5b: {  	[tilespmem:s24+$0x6820] =	vst.add.f32.msk $0xffff, v4  }
0x5c: {  	[tilespmem:s24+$0x6830] =	vst.add.f32.msk $0xffff, v5  }
0x5d: {  	[tilespmem:s24+$0x6840] =	vst.add.f32.msk $0xffff, v6  }
0x5e: {  	[tilespmem:s24+$0x6850] =	vst.add.f32.msk $0xffff, v7  }
0x5f: {  	[tilespmem:s24+$0x6860] =	vst.add.f32.msk $0xffff, v8  }
0x60: {  	[tilespmem:s24+$0x6870] =	vst.add.f32.msk $0xffff, v9  }
0x61: {  	[tilespmem:s24+$0x480] =	vst.add.f32.msk $0xffff, v10  }
0x62: {  	[tilespmem:s24+$0x490] =	vst.add.f32.msk $0xffff, v11  }
0x63: {  	[tilespmem:s24+$0x4A0] =	vst.add.f32.msk $0xffff, v12  }
0x64: {  	[tilespmem:s24+$0x4B0] =	vst.add.f32.msk $0xffff, v13  }
0x65: {  	[tilespmem:s24+$0x4C0] =	vst.add.f32.msk $0xffff, v14  }
0x66: {  	[tilespmem:s24+$0x4D0] =	vst.add.f32.msk $0xffff, v15  }
0x67: {  	[tilespmem:s24+$0x4E0] =	vst.add.f32.msk $0xffff, v0  }
0x68: {  	[tilespmem:s24+$0x4F0] =	vst.add.f32.msk $0xffff, v1  }
0x69: {  	[tilespmem:s24+$0x6880] =	vst.add.f32.msk $0xffff, v10  }
0x6a: {  	[tilespmem:s24+$0x6890] =	vst.add.f32.msk $0xffff, v11  }
0x6b: {  	[tilespmem:s24+$0x68A0] =	vst.add.f32.msk $0xffff, v12  }
0x6c: {  	[tilespmem:s24+$0x68B0] =	vst.add.f32.msk $0xffff, v13  }
0x6d: {  	[tilespmem:s24+$0x68C0] =	vst.add.f32.msk $0xffff, v14  }
0x6e: {  	s12 =	simm.s32 $0x400;
	s9 =	simm.s32 $0x0;
	[tilespmem:s24+$0x68D0] =	vst.add.f32.msk $0xffff, v15  }
.LBB2_3:
0x6f: {  	s9 =	sadd.s32 $0x2, s9;
	[tilespmem:s24+$0x68E0] =	vst.add.f32.msk $0xffff, v0;
	s24 =	sshra.s32 s12, $0x2  }
0x70: {  	v1 =	vld [tilespmem:s24+$0x194F0];
	p0 =	slt.u32 s9, $0xC6  }
0x71: {  	v2 =	vld [tilespmem:s24+$0x19400]  }
0x72: {  	v3 =	vld [tilespmem:s24+$0x19410]  }
0x73: {  	v4 =	vld [tilespmem:s24+$0x19420]  }
0x74: {  	v5 =	vld [tilespmem:s24+$0x19430]  }
0x75: {  	[tilespmem:s24+$0x68F0] =	vst.add.f32.msk $0xffff, v1  }
0x76: {  	v6 =	vld [tilespmem:s24+$0x19440]  }
0x77: {  	v7 =	vld [tilespmem:s24+$0x19450]  }
0x78: {  	v8 =	vld [tilespmem:s24+$0x19460]  }
0x79: {  	v9 =	vld [tilespmem:s24+$0x19470]  }
0x7a: {  	v10 =	vld [tilespmem:s24+$0x19480]  }
0x7b: {  	v11 =	vld [tilespmem:s24+$0x19490]  }
0x7c: {  	v12 =	vld [tilespmem:s24+$0x194A0]  }
0x7d: {  	v13 =	vld [tilespmem:s24+$0x194B0]  }
0x7e: {  	v14 =	vld [tilespmem:s24+$0x194C0]  }
0x7f: {  	v15 =	vld [tilespmem:s24+$0x194D0]  }
0x80: {  	v0 =	vld [tilespmem:s24+$0x194E0]  }
0x81: {  	[tilespmem:s24+$0x400] =	vst.add.f32.msk $0xffff, v2  }
0x82: {  	[tilespmem:s24+$0x410] =	vst.add.f32.msk $0xffff, v3  }
0x83: {  	[tilespmem:s24+$0x420] =	vst.add.f32.msk $0xffff, v4  }
0x84: {  	[tilespmem:s24+$0x430] =	vst.add.f32.msk $0xffff, v5  }
0x85: {  	[tilespmem:s24+$0x440] =	vst.add.f32.msk $0xffff, v6  }
0x86: {  	[tilespmem:s24+$0x450] =	vst.add.f32.msk $0xffff, v7  }
0x87: {  	[tilespmem:s24+$0x460] =	vst.add.f32.msk $0xffff, v8  }
0x88: {  	[tilespmem:s24+$0x470] =	vst.add.f32.msk $0xffff, v9  }
0x89: {  	[tilespmem:s24+$0x6800] =	vst.add.f32.msk $0xffff, v2  }
0x8a: {  	[tilespmem:s24+$0x6810] =	vst.add.f32.msk $0xffff, v3  }
0x8b: {  	[tilespmem:s24+$0x6820] =	vst.add.f32.msk $0xffff, v4  }
0x8c: {  	[tilespmem:s24+$0x6830] =	vst.add.f32.msk $0xffff, v5  }
0x8d: {  	[tilespmem:s24+$0x6840] =	vst.add.f32.msk $0xffff, v6  }
0x8e: {  	[tilespmem:s24+$0x6850] =	vst.add.f32.msk $0xffff, v7  }
0x8f: {  	[tilespmem:s24+$0x6860] =	vst.add.f32.msk $0xffff, v8  }
0x90: {  	[tilespmem:s24+$0x6870] =	vst.add.f32.msk $0xffff, v9  }
0x91: {  	[tilespmem:s24+$0x480] =	vst.add.f32.msk $0xffff, v10  }
0x92: {  	[tilespmem:s24+$0x490] =	vst.add.f32.msk $0xffff, v11  }
0x93: {  	[tilespmem:s24+$0x4A0] =	vst.add.f32.msk $0xffff, v12  }
0x94: {  	[tilespmem:s24+$0x4B0] =	vst.add.f32.msk $0xffff, v13  }
0x95: {  	[tilespmem:s24+$0x4C0] =	vst.add.f32.msk $0xffff, v14  }
0x96: {  	[tilespmem:s24+$0x4D0] =	vst.add.f32.msk $0xffff, v15  }
0x97: {  	[tilespmem:s24+$0x4E0] =	vst.add.f32.msk $0xffff, v0  }
0x98: {  	[tilespmem:s24+$0x4F0] =	vst.add.f32.msk $0xffff, v1  }
0x99: {  	[tilespmem:s24+$0x6880] =	vst.add.f32.msk $0xffff, v10  }
.Ltmp0:
0x9a: {  	[tilespmem:s24+$0x6890] =	vst.add.f32.msk $0xffff, v11;
	(pc) =	sbr.rel @p0 .LBB2_3-.Ltmp0, $4  }
0x9b: {  	[tilespmem:s24+$0x68A0] =	vst.add.f32.msk $0xffff, v12  }
0x9c: {  	[tilespmem:s24+$0x68B0] =	vst.add.f32.msk $0xffff, v13  }
0x9d: {  	[tilespmem:s24+$0x68C0] =	vst.add.f32.msk $0xffff, v14  }
0x9e: {  	s12 =	sadd.s32 $0x400, s12;
	[tilespmem:s24+$0x68D0] =	vst.add.f32.msk $0xffff, v15  }
0x9f: {  	s9 =	sadd.s32 s8, s23  }
0xa0: {  	s9 =	smul.u32 $0x1900, s9;
	_ =	sdelay $0x1  }
0xa1: {  	[tilespmem:s24+$0x68E0] =	vst.add.f32.msk $0xffff, v0;
	s9 =	sadd.s32 s4, s9  }
0xa2: {  	[hbm4b:s9+s5] =	stream.linear.scatter [tilespmem:s18], [sflag:$0x5], $0xC800, $0x38;
	[tilespmem:$0x1F800] =	vst v63  }
0xa3: {  	s24 =	sor.u32 $0x1, s23;
	_ =	swait.ge [sflag:s13], $0xC800  }
0xa4: {  	p0 =	sgt.u32 s24, $0x3E;
	[sflag:s13] =	ssyncset.done $0x0  }
0xa5: {  	s9 =	simm.s32 @!p0 $0x1;
	[sflag:s13] =	ssyncadd.s32 $0xFFFF3800  }
0xa6: {  	_ =	swait.ge @!p0 [sflag:s9], $0x200  }
0xa7: {  	s12 =	simm.s32 @!p0 $0x0;
	[sflag:s9] =	ssyncset.done @!p0 $0x0  }
0xa8: {  	s7 =	simm.s32 @!p0 $0x400;
	[sflag:s9] =	ssyncadd.s32 @!p0 $0xFFFFFE00;
	s9 =	simm.s32 @!p0 $0x64  }
0xa9: {  	[tilespmem:s7], [sflag:$0x3] =	stream.indirect.gather @!p0 [hbm4b:s1+s9], $0x80, s12, s9, $0xb8;
	[tilespmem:$0x1F800] =	vst v63  }
0xaa: {  	s7 =	simm.s32 @!p0 $0x80;
	s12 =	simm.s32 @!p0 $0x3600  }
0xab: {  	[tilespmem:s12], [sflag:$0x3] =	stream.indirect.gather @!p0 [hbm4b:s1+s9], $0x80, s7, s9, $0xb8;
	[tilespmem:$0x1F800] =	vst v63  }
0xac: {  	s7 =	simm.s32 @!p0 $0x100;
	s12 =	simm.s32 @!p0 $0x6800  }
0xad: {  	[tilespmem:s12], [sflag:$0x3] =	stream.indirect.gather @!p0 [hbm4b:s1+s9], $0x80, s7, s9, $0xb8;
	[tilespmem:$0x1F800] =	vst v63  }
0xae: {  	s7 =	simm.s32 @!p0 $0x180;
	s12 =	simm.s32 @!p0 $0x9A00  }
0xaf: {  	[tilespmem:s12], [sflag:$0x3] =	stream.indirect.gather @!p0 [hbm4b:s1+s9], $0x80, s7, s9, $0xb8;
	[tilespmem:$0x1F800] =	vst v63  }
0xb0: {  	_ =	swait.ge [sflag:s19], $0x3200  }
0xb1: {  	[sflag:s19] =	ssyncset.done $0x0  }
0xb2: {  	[sflag:s19] =	ssyncadd.s32 $0xFFFFCE00  }
0xb3: {  	_ =	swait.ge [sflag:s19], $0x3200  }
0xb4: {  	[sflag:s19] =	ssyncset.done $0x0  }
0xb5: {  	[sflag:s19] =	ssyncadd.s32 $0xFFFFCE00  }
0xb6: {  	_ =	swait.ge [sflag:s19], $0x3200  }
0xb7: {  	[sflag:s19] =	ssyncset.done $0x0  }
0xb8: {  	[sflag:s19] =	ssyncadd.s32 $0xFFFFCE00  }
0xb9: {  	s12 =	smin.u32 s23, $0x3C;
	_ =	swait.ge [sflag:s19], $0x3200  }
0xba: {  	s7 =	sshll.u32 s12, $0x6;
	[sflag:s19] =	ssyncset.done $0x0  }
0xbb: {  	s23 =	simm.s32 $0x0;
	s7 =	sadd.s32 s7, s11;
	[sflag:s19] =	ssyncadd.s32 $0xFFFFCE00  }
0xbc: {  	[tilespmem:s15], [sflag:$0x2] =	stream.linear.gather [hbm4b:s7+s23], $0x200, $0x38;
	[tilespmem:$0x1F800] =	vst v63  }
0xbd: {  	s23 =	simm.s32 $0x0  }
0xbe: {  	v1 =	vld [tilespmem:s23+$0x194F0]  }
0xbf: {  	v2 =	vld [tilespmem:s23+$0x19400]  }
0xc0: {  	v3 =	vld [tilespmem:s23+$0x19410]  }
0xc1: {  	v4 =	vld [tilespmem:s23+$0x19420]  }
0xc2: {  	v5 =	vld [tilespmem:s23+$0x19430]  }
0xc3: {  	v6 =	vld [tilespmem:s23+$0x19440]  }
0xc4: {  	v7 =	vld [tilespmem:s23+$0x19450]  }
0xc5: {  	v8 =	vld [tilespmem:s23+$0x19460]  }
0xc6: {  	v9 =	vld [tilespmem:s23+$0x19470]  }
0xc7: {  	v10 =	vld [tilespmem:s23+$0x19480]  }
0xc8: {  	v11 =	vld [tilespmem:s23+$0x19490]  }
0xc9: {  	v12 =	vld [tilespmem:s23+$0x194A0]  }
0xca: {  	v13 =	vld [tilespmem:s23+$0x194B0]  }
0xcb: {  	v14 =	vld [tilespmem:s23+$0x194C0]  }
0xcc: {  	v15 =	vld [tilespmem:s23+$0x194D0]  }
0xcd: {  	v0 =	vld [tilespmem:s23+$0x194E0]  }
0xce: {  	[tilespmem:s23+$0x130F0] =	vst.add.f32.msk $0xffff, v1  }
0xcf: {  	[tilespmem:s23+$0xCC00] =	vst.add.f32.msk $0xffff, v2  }
0xd0: {  	[tilespmem:s23+$0xCC10] =	vst.add.f32.msk $0xffff, v3  }
0xd1: {  	[tilespmem:s23+$0xCC20] =	vst.add.f32.msk $0xffff, v4  }
0xd2: {  	[tilespmem:s23+$0xCC30] =	vst.add.f32.msk $0xffff, v5  }
0xd3: {  	[tilespmem:s23+$0xCC40] =	vst.add.f32.msk $0xffff, v6  }
0xd4: {  	[tilespmem:s23+$0xCC50] =	vst.add.f32.msk $0xffff, v7  }
0xd5: {  	[tilespmem:s23+$0xCC60] =	vst.add.f32.msk $0xffff, v8  }
0xd6: {  	[tilespmem:s23+$0xCC70] =	vst.add.f32.msk $0xffff, v9  }
0xd7: {  	[tilespmem:s23+$0x13000] =	vst.add.f32.msk $0xffff, v2  }
0xd8: {  	[tilespmem:s23+$0x13010] =	vst.add.f32.msk $0xffff, v3  }
0xd9: {  	[tilespmem:s23+$0x13020] =	vst.add.f32.msk $0xffff, v4  }
0xda: {  	[tilespmem:s23+$0x13030] =	vst.add.f32.msk $0xffff, v5  }
0xdb: {  	[tilespmem:s23+$0x13040] =	vst.add.f32.msk $0xffff, v6  }
0xdc: {  	[tilespmem:s23+$0x13050] =	vst.add.f32.msk $0xffff, v7  }
0xdd: {  	[tilespmem:s23+$0x13060] =	vst.add.f32.msk $0xffff, v8  }
0xde: {  	[tilespmem:s23+$0x13070] =	vst.add.f32.msk $0xffff, v9  }
0xdf: {  	[tilespmem:s23+$0xCC80] =	vst.add.f32.msk $0xffff, v10  }
0xe0: {  	[tilespmem:s23+$0xCC90] =	vst.add.f32.msk $0xffff, v11  }
0xe1: {  	[tilespmem:s23+$0xCCA0] =	vst.add.f32.msk $0xffff, v12  }
0xe2: {  	[tilespmem:s23+$0xCCB0] =	vst.add.f32.msk $0xffff, v13  }
0xe3: {  	[tilespmem:s23+$0xCCC0] =	vst.add.f32.msk $0xffff, v14  }
0xe4: {  	[tilespmem:s23+$0xCCD0] =	vst.add.f32.msk $0xffff, v15  }
0xe5: {  	[tilespmem:s23+$0xCCE0] =	vst.add.f32.msk $0xffff, v0  }
0xe6: {  	[tilespmem:s23+$0xCCF0] =	vst.add.f32.msk $0xffff, v1  }
0xe7: {  	[tilespmem:s23+$0x13080] =	vst.add.f32.msk $0xffff, v10  }
0xe8: {  	[tilespmem:s23+$0x13090] =	vst.add.f32.msk $0xffff, v11  }
0xe9: {  	[tilespmem:s23+$0x130A0] =	vst.add.f32.msk $0xffff, v12  }
0xea: {  	[tilespmem:s23+$0x130B0] =	vst.add.f32.msk $0xffff, v13  }
0xeb: {  	[tilespmem:s23+$0x130C0] =	vst.add.f32.msk $0xffff, v14  }
0xec: {  	s9 =	simm.s32 $0x0;
	s12 =	simm.s32 $0x400;
	[tilespmem:s23+$0x130D0] =	vst.add.f32.msk $0xffff, v15  }
.LBB2_5:
0xed: {  	s9 =	sadd.s32 $0x2, s9;
	[tilespmem:s23+$0x130E0] =	vst.add.f32.msk $0xffff, v0;
	s23 =	sshra.s32 s12, $0x2  }
0xee: {  	v1 =	vld [tilespmem:s23+$0x194F0];
	p0 =	slt.u32 s9, $0xC6  }
0xef: {  	v2 =	vld [tilespmem:s23+$0x19400]  }
0xf0: {  	v3 =	vld [tilespmem:s23+$0x19410]  }
0xf1: {  	v4 =	vld [tilespmem:s23+$0x19420]  }
0xf2: {  	v5 =	vld [tilespmem:s23+$0x19430]  }
0xf3: {  	[tilespmem:s23+$0x130F0] =	vst.add.f32.msk $0xffff, v1  }
0xf4: {  	v6 =	vld [tilespmem:s23+$0x19440]  }
0xf5: {  	v7 =	vld [tilespmem:s23+$0x19450]  }
0xf6: {  	v8 =	vld [tilespmem:s23+$0x19460]  }
0xf7: {  	v9 =	vld [tilespmem:s23+$0x19470]  }
0xf8: {  	v10 =	vld [tilespmem:s23+$0x19480]  }
0xf9: {  	v11 =	vld [tilespmem:s23+$0x19490]  }
0xfa: {  	v12 =	vld [tilespmem:s23+$0x194A0]  }
0xfb: {  	v13 =	vld [tilespmem:s23+$0x194B0]  }
0xfc: {  	v14 =	vld [tilespmem:s23+$0x194C0]  }
0xfd: {  	v15 =	vld [tilespmem:s23+$0x194D0]  }
0xfe: {  	v0 =	vld [tilespmem:s23+$0x194E0]  }
0xff: {  	[tilespmem:s23+$0xCC00] =	vst.add.f32.msk $0xffff, v2  }
0x100: {  	[tilespmem:s23+$0xCC10] =	vst.add.f32.msk $0xffff, v3  }
0x101: {  	[tilespmem:s23+$0xCC20] =	vst.add.f32.msk $0xffff, v4  }
0x102: {  	[tilespmem:s23+$0xCC30] =	vst.add.f32.msk $0xffff, v5  }
0x103: {  	[tilespmem:s23+$0xCC40] =	vst.add.f32.msk $0xffff, v6  }
0x104: {  	[tilespmem:s23+$0xCC50] =	vst.add.f32.msk $0xffff, v7  }
0x105: {  	[tilespmem:s23+$0xCC60] =	vst.add.f32.msk $0xffff, v8  }
0x106: {  	[tilespmem:s23+$0xCC70] =	vst.add.f32.msk $0xffff, v9  }
0x107: {  	[tilespmem:s23+$0x13000] =	vst.add.f32.msk $0xffff, v2  }
0x108: {  	[tilespmem:s23+$0x13010] =	vst.add.f32.msk $0xffff, v3  }
0x109: {  	[tilespmem:s23+$0x13020] =	vst.add.f32.msk $0xffff, v4  }
0x10a: {  	[tilespmem:s23+$0x13030] =	vst.add.f32.msk $0xffff, v5  }
0x10b: {  	[tilespmem:s23+$0x13040] =	vst.add.f32.msk $0xffff, v6  }
0x10c: {  	[tilespmem:s23+$0x13050] =	vst.add.f32.msk $0xffff, v7  }
0x10d: {  	[tilespmem:s23+$0x13060] =	vst.add.f32.msk $0xffff, v8  }
0x10e: {  	[tilespmem:s23+$0x13070] =	vst.add.f32.msk $0xffff, v9  }
0x10f: {  	[tilespmem:s23+$0xCC80] =	vst.add.f32.msk $0xffff, v10  }
0x110: {  	[tilespmem:s23+$0xCC90] =	vst.add.f32.msk $0xffff, v11  }
0x111: {  	[tilespmem:s23+$0xCCA0] =	vst.add.f32.msk $0xffff, v12  }
0x112: {  	[tilespmem:s23+$0xCCB0] =	vst.add.f32.msk $0xffff, v13  }
0x113: {  	[tilespmem:s23+$0xCCC0] =	vst.add.f32.msk $0xffff, v14  }
0x114: {  	[tilespmem:s23+$0xCCD0] =	vst.add.f32.msk $0xffff, v15  }
0x115: {  	[tilespmem:s23+$0xCCE0] =	vst.add.f32.msk $0xffff, v0  }
0x116: {  	[tilespmem:s23+$0xCCF0] =	vst.add.f32.msk $0xffff, v1  }
0x117: {  	[tilespmem:s23+$0x13080] =	vst.add.f32.msk $0xffff, v10  }
.Ltmp1:
0x118: {  	[tilespmem:s23+$0x13090] =	vst.add.f32.msk $0xffff, v11;
	(pc) =	sbr.rel @p0 .LBB2_5-.Ltmp1, $4  }
0x119: {  	[tilespmem:s23+$0x130A0] =	vst.add.f32.msk $0xffff, v12  }
0x11a: {  	[tilespmem:s23+$0x130B0] =	vst.add.f32.msk $0xffff, v13  }
0x11b: {  	[tilespmem:s23+$0x130C0] =	vst.add.f32.msk $0xffff, v14  }
0x11c: {  	s12 =	sadd.s32 $0x400, s12;
	[tilespmem:s23+$0x130D0] =	vst.add.f32.msk $0xffff, v15  }
0x11d: {  	s22 =	sadd.s32 $0x1, s22  }
0x11e: {  	p0 =	sne.s32 s22, $0x20  }
.Ltmp2:
0x11f: {  	s7 =	sadd.s32 s8, s24;
	(pc) =	sbr.rel @p0 .LBB2_2-.Ltmp2, $3  }
0x120: {  	s7 =	smul.u32 $0x1900, s7;
	_ =	sdelay $0x1  }
0x121: {  	[tilespmem:s23+$0x130E0] =	vst.add.f32.msk $0xffff, v0;
	s7 =	sadd.s32 s4, s7  }
0x122: {  	[hbm4b:s7+s5] =	stream.linear.scatter [tilespmem:s26], [sflag:$0x6], $0xC800, $0x38;
	[tilespmem:$0x1F800] =	vst v63  }
0x123: {  	_ =	swait.ge [sflag:s20], $0xC800  }
0x124: {  	[sflag:s20] =	ssyncset.done $0x0  }
0x125: {  	[sflag:s20] =	ssyncadd.s32 $0xFFFF3800  }
0x126: {  	_ =	swait.ge [sflag:s16], $0x200  }
0x127: {  	[sflag:s16] =	ssyncset.done $0x0  }
0x128: {  	[sflag:s16] =	ssyncadd.s32 $0xFFFFFE00  }
0x129: {  	_ =	swait.ge [sflag:s25], $0x200  }
0x12a: {  	s21 =	sadd.s32 $0x1, s21;
	s7 =	rddreg [dreg:$0x7]  }
0x12b: {  	p0 =	sne.s32 s21, s7  }
.Ltmp3:
0x12c: {  	_ = 	snop;
	(pc) =	sbr.rel @p0 .LBB2_1-.Ltmp3, $3  }
0x12d: {  	_ =	sdelay $0x1  }
0x12e: {  	[sflag:s25] =	ssyncset.done $0x0  }
0x12f: {  	[sflag:s25] =	ssyncadd.s32 $0xFFFFFE00  }
0x130: {  	_ =	sfence.sel $0x180000  }
0x131: {  	[bflag:$0x0] =	sbarrier.arrive $0xFFFF  }
0x132: {  	_ =	strace $0x90000047  }
0x133: {  	s0 =	stileid.u32;
	[bflag:$0x2] =	sbarrier.arrive $0xFFFF  }
0x134: {  	p0 =	sne.s32 s0, $0x0;
	s0 =	rddreg [dreg:$0x4]  }
0x135: {  	s0 =	sadd.s32 @!p0 $0x100000, s0  }
0x136: {  	[sflag:s0] =	ssyncadd.tile.s32 @!p0 $0x1;
	_ =	shalt  }
.Lfunc_end2:
_tile_overlayer_lowered:
.L_overlay_start_2:
0x137: {  	(tag) =	ssettag $0x2  }
0x138: {  	s0 =	rddreg [dreg:$0x0];
	s2 =	stileid.u32  }
0x139: {  	s1 =	rddreg [dreg:$0x1];
	p0 =	sne.s32 s2, $0x0  }
0x13a: {  	s3 =	rddreg [dreg:$0x2];
	[bflag:$0x3] =	sbarrier.arrive $0xFFFF;
	s2 =	simm.s32 @!p0 $0x1C07  }
0x13b: {  	[timem:s3], [sflag:s2] =	dma.local @!p0 [hbm:s0], s1  }
0x13c: {  	s0 =	simm.s32 @!p0 $0x7  }
0x13d: {  	_ =	swait.ge @!p0 [sflag:s0], s1  }
0x13e: {  	s1 =	ssub.s32 @!p0 $0x0, s1;
	[sflag:s0] =	ssyncset.done @!p0 $0x0  }
0x13f: {  	[sflag:s0] =	ssyncadd.s32 @!p0 s1  }
0x140: {  	[bflag:$0x3] =	sbarrier.arrive $0xFFFF  }
0x141: {  	_ =	shalt  }

</sc_bundles>
